<compile_context>
chip_gen: v7x
topology: tpu7x:2x2x1
jax: 0.10.2.dev20260603
libtpu: 0.0.44.dev20260713+nightly
codegen_flags: <defaults>
</compile_context>

<pallas_src>
import functools

import jax
import jax.numpy as jnp
from jax import lax
from jax.experimental import pallas as pl
from jax.experimental.pallas import tpu as pltpu
from jax.experimental.pallas import tpu_sc as plsc

N, E, D, H, Z, G = 10000, 320000, 128, 64, 32, 64

NC, NS = 2, 16
NW = NC * NS
TW = H + 8
NP = N
CH = 80
EW = E // NW
NCHUNK = EW // CH
NBUF = 5
NOUTER = NCHUNK // NBUF
ZR = NP // NS


def _table_body(x_ref, w1_ref, o_ref):
    xw = jnp.dot(x_ref[...], w1_ref[...], preferred_element_type=jnp.float32)
    col = lax.broadcasted_iota(jnp.int32, (N, TW - H), 1)
    pad = jnp.where(col == 0, 1.0, 0.0).astype(jnp.float32)
    o_ref[...] = jnp.concatenate([xw, pad], axis=1)


def _sc_body(table_hbm, srcm_hbm, dstm_hbm, zeros_hbm, out_hbm,
             srcv, dstv, rows, acc, gsem, ssem):
    cid = lax.axis_index("c")
    sid = lax.axis_index("s")
    wid = sid * NC + cid

    pltpu.sync_copy(zeros_hbm, acc.at[pl.ds(sid * ZR, ZR)])
    pltpu.sync_copy(srcm_hbm.at[pl.ds(wid * NCHUNK, NCHUNK)], srcv)
    pltpu.sync_copy(dstm_hbm.at[pl.ds(wid * NCHUNK, NCHUNK)], dstv)
    plsc.subcore_barrier()

    def start_gather(j, b):
        pltpu.async_copy(table_hbm.at[srcv.at[j]], rows.at[b], gsem.at[b])

    def wait_gather(j, b):
        pltpu.make_async_copy(table_hbm.at[srcv.at[j]], rows.at[b],
                              gsem.at[b]).wait()

    def start_scatter(j, b):
        pltpu.async_copy(rows.at[b], acc.at[dstv.at[j]], ssem.at[b], add=True)

    def wait_scatter(j, b):
        pltpu.make_async_copy(rows.at[b], acc.at[dstv.at[j]],
                              ssem.at[b]).wait()

    for b in range(NBUF):
        start_gather(b, b)

    def outer(g, carry):
        for b in range(NBUF):
            j = g * NBUF + b
            wait_gather(j, b)
            start_scatter(j, b)
        for b in range(NBUF):
            j = g * NBUF + b
            wait_scatter(j, b)

            @pl.when(g < NOUTER - 1)
            def _():
                start_gather(j + NBUF, b)
        return carry

    lax.fori_loop(0, NOUTER, outer, 0)
    plsc.subcore_barrier()
    pltpu.sync_copy(acc.at[pl.ds(sid * ZR, ZR)],
                    out_hbm.at[pl.ds(cid * NP + sid * ZR, ZR)])


@functools.lru_cache(maxsize=1)
def _make_sc_call():
    return pl.kernel(
        _sc_body,
        out_type=jax.ShapeDtypeStruct((NC * NP, TW), jnp.float32),
        mesh=plsc.VectorSubcoreMesh(core_axis_name="c", subcore_axis_name="s",
                                    num_cores=NC, num_subcores=NS),
        scratch_types=[
            pltpu.VMEM((NCHUNK, CH), jnp.int32),
            pltpu.VMEM((NCHUNK, CH), jnp.int32),
            pltpu.VMEM((NBUF, CH, TW), jnp.float32),
            pltpu.VMEM_SHARED((NP, TW), jnp.float32),
            pltpu.SemaphoreType.DMA((NBUF,)),
            pltpu.SemaphoreType.DMA((NBUF,)),
        ],
        compiler_params=pltpu.CompilerParams(use_tc_tiling_on_sc=False),
    )


def _final_body(table_ref, acc_ref, x_ref, b1_ref, wmu_ref, wdecp_ref,
                bdecp_ref, batch_ref, o_ref):
    accs = acc_ref[0:N, :] + acc_ref[NP:NP + N, :]
    seg = accs[:, 0:H]
    deg = accs[:, H:H + 1]
    xw = table_ref[0:N, 0:H]
    h = jnp.maximum(xw + seg / jnp.maximum(deg, 1.0) + b1_ref[...], 0.0)
    wc = jnp.dot(wmu_ref[...], wdecp_ref[...],
                 preferred_element_type=jnp.float32)
    colmask = (lax.broadcasted_iota(jnp.int32, (1, D), 1) > 0
               ).astype(jnp.float32)
    e = (jnp.dot(h, wc, preferred_element_type=jnp.float32)
         + bdecp_ref[...] - x_ref[...] * colmask)
    ne = jnp.sum(e * e, axis=1, keepdims=True) * (1.0 / (D - 1))
    onehot = (batch_ref[...] == lax.broadcasted_iota(jnp.int32, (N, G), 1)
              ).astype(jnp.float32)
    ssum = jnp.sum(ne * onehot, axis=0, keepdims=True)
    cnt = jnp.sum(onehot, axis=0, keepdims=True)
    ge = ssum / jnp.maximum(cnt, 1.0)
    o_ref[...] = jnp.concatenate([-ge, ge], axis=0)


def kernel(x, edge_index, batch, W1, b1, Wmu, Wdec, bdec):
    table = pl.pallas_call(
        _table_body,
        out_shape=jax.ShapeDtypeStruct((NP, TW), jnp.float32),
    )(x, W1)

    srcm = edge_index[0].reshape(NW * NCHUNK, CH)
    dstm = edge_index[1].reshape(NW * NCHUNK, CH)
    zeros_blk = jnp.zeros((ZR, TW), jnp.float32)
    acc = _make_sc_call()(table, srcm, dstm, zeros_blk)

    wdecp = jnp.pad(Wdec, ((0, 0), (1, 0)))
    bdecp = jnp.pad(bdec, (1, 0)).reshape(1, D)
    out2 = pl.pallas_call(
        _final_body,
        out_shape=jax.ShapeDtypeStruct((2, G), jnp.float32),
    )(table, acc, x, b1.reshape(1, H), Wmu, wdecp, bdecp,
      batch.reshape(N, 1))
    return out2.T

# --- scband reference (transcript-rebuilt; emitter-appended) ---
"""Pipeline reference for scband-vgaeexplainer-wrapper-80504866996789 (READ-ONLY COPY).

The authoritative reference and input builder live on the scoring server;
editing this copy changes nothing except your own understanding.
"""

import jax, jax.numpy as jnp
import numpy as np

N, E, D, H, Z, G = 10000, 320000, 128, 64, 32, 64

def setup_inputs(seed: int = 0) -> dict:
    key = jax.random.key(seed)
    ks = jax.random.split(key, 9)
    x = jax.random.normal(ks[0], (N, D), dtype=jnp.float32)
    edge_index = jax.random.randint(ks[1], (2, E), 0, N, dtype=jnp.int32)
    batch = jnp.sort(jax.random.randint(ks[2], (N,), 0, G, dtype=jnp.int32))
    W1 = jax.random.normal(ks[3], (D, H), dtype=jnp.float32) * (1.0 / np.sqrt(D))
    b1 = jnp.zeros((H,), dtype=jnp.float32)
    Wmu = jax.random.normal(ks[4], (H, Z), dtype=jnp.float32) * (1.0 / np.sqrt(H))
    Wdec = jax.random.normal(ks[5], (Z, D - 1), dtype=jnp.float32) * (1.0 / np.sqrt(Z))
    bdec = jnp.zeros((D - 1,), dtype=jnp.float32)
    return {"x": x, "edge_index": edge_index, "batch": batch, "W1": W1, "b1": b1, "Wmu": Wmu, "Wdec": Wdec, "bdec": bdec}

def reference(x, edge_index, batch, W1, b1, Wmu, Wdec, bdec):
    src = edge_index[0]
    dst = edge_index[1]
    # GCN-style mean aggregation (stand-in VGAE encoder)
    deg = jax.ops.segment_sum(jnp.ones((E,), dtype=jnp.float32), dst, num_segments=N)
    agg = jax.ops.segment_sum(jnp.take(x, src, axis=0), dst, num_segments=N)
    h = jax.nn.relu((x + agg / jnp.maximum(deg, 1.0)[:, None]) @ W1 + b1)
    mu = h @ Wmu  # eval-mode VGAE: z = mu (deterministic)
    cont = mu @ Wdec + bdec  # reconstruct continuous features x[:, 1:]
    # wrapper logic: per-node MSE -> global_mean_pool -> 2-class logits
    node_error = jnp.mean((cont - x[:, 1:]) ** 2, axis=1)
    seg_sum = jax.ops.segment_sum(node_error, batch, num_segments=G)
    counts = jax.ops.segment_sum(jnp.ones_like(node_error), batch, num_segments=G)
    graph_error = seg_sum / jnp.maximum(counts, 1.0)
    logits = jnp.stack([-graph_error, graph_error], axis=1)
    return logits

if __name__ == "__main__":
    import jax
    _d = setup_inputs()
    print(jax.jit(kernel)(*tuple(_d.values())))

</pallas_src>

<mosaic_0001>
#map = affine_map<(d0, d1) -> (0, 0)>
module attributes {stable_mosaic.version = 14 : i64} {
  func.func @_sc_body(%arg0: i32, %arg1: i32, %arg2: memref<10000x72xf32, #tpu.memory_space<hbm>>, %arg3: memref<4000x80xi32, #tpu.memory_space<hbm>>, %arg4: memref<4000x80xi32, #tpu.memory_space<hbm>>, %arg5: memref<625x72xf32, #tpu.memory_space<hbm>>, %arg6: memref<20000x72xf32, #tpu.memory_space<hbm>>, %arg7: memref<125x80xi32, #tpu.memory_space<vmem>>, %arg8: memref<125x80xi32, #tpu.memory_space<vmem>>, %arg9: memref<5x80x72xf32, #tpu.memory_space<vmem>>, %arg10: memref<10000x72xf32, #tpu.memory_space<vmem_shared>>, %arg11: memref<5x!tpu.dma_semaphore, #tpu.memory_space<semaphore_mem>>, %arg12: memref<5x!tpu.dma_semaphore, #tpu.memory_space<semaphore_mem>>) attributes {dimension_semantics = [#tpu.dimension_semantics<core_parallel>, #tpu.dimension_semantics<subcore_parallel>], iteration_bounds = array<i64: 2, 16>, scalar_prefetch = 0 : i64, scratch_operands = 6 : i64, tpu.core_type = #tpu.core_type<sc_vector_subcore>, window_params = [{transform_indices = #map}, {transform_indices = #map}, {transform_indices = #map}, {transform_indices = #map}, {transform_indices = #map}]} {
    %mul3A = arith.constant 2 : i32
    %mul3A_0 = arith.muli %arg1, %mul3A : i32
    %add3A = arith.addi %mul3A_0, %arg0 : i32
    %mul3A_1 = arith.constant 625 : i32
    %mul3A_2 = arith.muli %arg1, %mul3A_1 : i32
    "tpu.region"() ({
      %run_scoped3A = tpu.sem_alloc : memref<!tpu.dma_semaphore, #tpu.memory_space<semaphore_mem>>
      %dma_start3A_94 = arith.constant 0 : i32
      %dma_start3A_95 = tpu.memref_slice %arg10[%mul3A_2, %dma_start3A_94] : memref<10000x72xf32, #tpu.memory_space<vmem_shared>> -> memref<625x72xf32, #tpu.memory_space<vmem_shared>>
      tpu.enqueue_dma source(%arg5 : memref<625x72xf32, #tpu.memory_space<hbm>>) target(%dma_start3A_95 : memref<625x72xf32, #tpu.memory_space<vmem_shared>>) target_semaphore(%run_scoped3A : memref<!tpu.dma_semaphore, #tpu.memory_space<semaphore_mem>>)
      %dma_wait3A = arith.constant 0 : i32
      %dma_wait3A_96 = tpu.memref_slice %arg10[%mul3A_2, %dma_wait3A] : memref<10000x72xf32, #tpu.memory_space<vmem_shared>> -> memref<625x72xf32, #tpu.memory_space<vmem_shared>>
      tpu.wait_dma2 semaphore(%run_scoped3A : memref<!tpu.dma_semaphore, #tpu.memory_space<semaphore_mem>>) src(%arg5 : memref<625x72xf32, #tpu.memory_space<hbm>>) dst(%dma_wait3A_96 : memref<625x72xf32, #tpu.memory_space<vmem_shared>>)
      tpu.yield
    }) : () -> ()
    %mul3A_3 = arith.constant 125 : i32
    %mul3A_4 = arith.muli %add3A, %mul3A_3 : i32
    "tpu.region"() ({
      %run_scoped3A = tpu.sem_alloc : memref<!tpu.dma_semaphore, #tpu.memory_space<semaphore_mem>>
      %dma_start3A_94 = arith.constant 0 : i32
      %dma_start3A_95 = tpu.memref_slice %arg3[%mul3A_4, %dma_start3A_94] : memref<4000x80xi32, #tpu.memory_space<hbm>> -> memref<125x80xi32, #tpu.memory_space<hbm>>
      %dma_start3A_96 = arith.constant 0 : i32
      %dma_start3A_97 = tpu.memref_slice %arg3[%mul3A_4, %dma_start3A_96] : memref<4000x80xi32, #tpu.memory_space<hbm>> -> memref<125x80xi32, #tpu.memory_space<hbm>>
      tpu.enqueue_dma source(%dma_start3A_97 : memref<125x80xi32, #tpu.memory_space<hbm>>) target(%arg7 : memref<125x80xi32, #tpu.memory_space<vmem>>) target_semaphore(%run_scoped3A : memref<!tpu.dma_semaphore, #tpu.memory_space<semaphore_mem>>)
      %dma_wait3A = arith.constant 0 : i32
      %dma_wait3A_98 = tpu.memref_slice %arg3[%mul3A_4, %dma_wait3A] : memref<4000x80xi32, #tpu.memory_space<hbm>> -> memref<125x80xi32, #tpu.memory_space<hbm>>
      %dma_wait3A_99 = arith.constant 0 : i32
      %dma_wait3A_100 = tpu.memref_slice %arg3[%mul3A_4, %dma_wait3A_99] : memref<4000x80xi32, #tpu.memory_space<hbm>> -> memref<125x80xi32, #tpu.memory_space<hbm>>
      tpu.wait_dma2 semaphore(%run_scoped3A : memref<!tpu.dma_semaphore, #tpu.memory_space<semaphore_mem>>) src(%dma_wait3A_100 : memref<125x80xi32, #tpu.memory_space<hbm>>) dst(%arg7 : memref<125x80xi32, #tpu.memory_space<vmem>>)
      tpu.yield
    }) : () -> ()
    %mul3A_5 = arith.constant 125 : i32
    %mul3A_6 = arith.muli %add3A, %mul3A_5 : i32
    "tpu.region"() ({
      %run_scoped3A = tpu.sem_alloc : memref<!tpu.dma_semaphore, #tpu.memory_space<semaphore_mem>>
      %dma_start3A_94 = arith.constant 0 : i32
      %dma_start3A_95 = tpu.memref_slice %arg4[%mul3A_6, %dma_start3A_94] : memref<4000x80xi32, #tpu.memory_space<hbm>> -> memref<125x80xi32, #tpu.memory_space<hbm>>
      %dma_start3A_96 = arith.constant 0 : i32
      %dma_start3A_97 = tpu.memref_slice %arg4[%mul3A_6, %dma_start3A_96] : memref<4000x80xi32, #tpu.memory_space<hbm>> -> memref<125x80xi32, #tpu.memory_space<hbm>>
      tpu.enqueue_dma source(%dma_start3A_97 : memref<125x80xi32, #tpu.memory_space<hbm>>) target(%arg8 : memref<125x80xi32, #tpu.memory_space<vmem>>) target_semaphore(%run_scoped3A : memref<!tpu.dma_semaphore, #tpu.memory_space<semaphore_mem>>)
      %dma_wait3A = arith.constant 0 : i32
      %dma_wait3A_98 = tpu.memref_slice %arg4[%mul3A_6, %dma_wait3A] : memref<4000x80xi32, #tpu.memory_space<hbm>> -> memref<125x80xi32, #tpu.memory_space<hbm>>
      %dma_wait3A_99 = arith.constant 0 : i32
      %dma_wait3A_100 = tpu.memref_slice %arg4[%mul3A_6, %dma_wait3A_99] : memref<4000x80xi32, #tpu.memory_space<hbm>> -> memref<125x80xi32, #tpu.memory_space<hbm>>
      tpu.wait_dma2 semaphore(%run_scoped3A : memref<!tpu.dma_semaphore, #tpu.memory_space<semaphore_mem>>) src(%dma_wait3A_100 : memref<125x80xi32, #tpu.memory_space<hbm>>) dst(%arg8 : memref<125x80xi32, #tpu.memory_space<vmem>>)
      tpu.yield
    }) : () -> ()
    %barrier3A = arith.constant 0 : index
    tpu.barrier barrier_id(%barrier3A)
    %dma_start3A = arith.constant 0 : i32
    %dma_start3A_7 = arith.constant 0 : i32
    %dma_start3A_8 = arith.constant 0 : i32
    %dma_start3A_9 = arith.constant 0 : i32
    %dma_start3A_10 = arith.constant 0 : i32
    %dma_start3A_11 = tpu.memref_slice %arg9[%dma_start3A_7, %dma_start3A_9, %dma_start3A_10] : memref<5x80x72xf32, #tpu.memory_space<vmem>> -> memref<1x80x72xf32, #tpu.memory_space<vmem>>
    %dma_start3A_12 = tpu.memref_squeeze %dma_start3A_11 : memref<1x80x72xf32, #tpu.memory_space<vmem>> -> memref<80x72xf32, #tpu.memory_space<vmem>>
    %dma_start3A_13 = arith.constant 0 : i32
    %dma_start3A_14 = tpu.memref_slice %arg7[%dma_start3A, %dma_start3A_13] : memref<125x80xi32, #tpu.memory_space<vmem>> -> memref<1x80xi32, #tpu.memory_space<vmem>>
    %dma_start3A_15 = tpu.memref_squeeze %dma_start3A_14 : memref<1x80xi32, #tpu.memory_space<vmem>> -> memref<80xi32, #tpu.memory_space<vmem>>
    %dma_start3A_16 = arith.constant 0 : i32
    %dma_start3A_17 = arith.constant 0 : i32
    %dma_start3A_18 = tpu.memref_slice %arg2[%dma_start3A_16, %dma_start3A_17] : memref<10000x72xf32, #tpu.memory_space<hbm>> -> memref<10000x72xf32, #tpu.memory_space<hbm>>
    %dma_start3A_19 = tpu.memref_slice %arg11[%dma_start3A_8] : memref<5x!tpu.dma_semaphore, #tpu.memory_space<semaphore_mem>> -> memref<1x!tpu.dma_semaphore, #tpu.memory_space<semaphore_mem>>
    %dma_start3A_20 = tpu.memref_squeeze %dma_start3A_19 : memref<1x!tpu.dma_semaphore, #tpu.memory_space<semaphore_mem>> -> memref<!tpu.dma_semaphore, #tpu.memory_space<semaphore_mem>>
    tpu.enqueue_indirect_dma source(%dma_start3A_18 : memref<10000x72xf32, #tpu.memory_space<hbm>>) target(%dma_start3A_12 : memref<80x72xf32, #tpu.memory_space<vmem>>) offsets(%dma_start3A_15 : memref<80xi32, #tpu.memory_space<vmem>>) semaphore(%dma_start3A_20 : memref<!tpu.dma_semaphore, #tpu.memory_space<semaphore_mem>>)
    %dma_start3A_21 = arith.constant 1 : i32
    %dma_start3A_22 = arith.constant 1 : i32
    %dma_start3A_23 = arith.constant 1 : i32
    %dma_start3A_24 = arith.constant 0 : i32
    %dma_start3A_25 = arith.constant 0 : i32
    %dma_start3A_26 = tpu.memref_slice %arg9[%dma_start3A_22, %dma_start3A_24, %dma_start3A_25] : memref<5x80x72xf32, #tpu.memory_space<vmem>> -> memref<1x80x72xf32, #tpu.memory_space<vmem>>
    %dma_start3A_27 = tpu.memref_squeeze %dma_start3A_26 : memref<1x80x72xf32, #tpu.memory_space<vmem>> -> memref<80x72xf32, #tpu.memory_space<vmem>>
    %dma_start3A_28 = arith.constant 0 : i32
    %dma_start3A_29 = tpu.memref_slice %arg7[%dma_start3A_21, %dma_start3A_28] : memref<125x80xi32, #tpu.memory_space<vmem>> -> memref<1x80xi32, #tpu.memory_space<vmem>>
    %dma_start3A_30 = tpu.memref_squeeze %dma_start3A_29 : memref<1x80xi32, #tpu.memory_space<vmem>> -> memref<80xi32, #tpu.memory_space<vmem>>
    %dma_start3A_31 = arith.constant 0 : i32
    %dma_start3A_32 = arith.constant 0 : i32
    %dma_start3A_33 = tpu.memref_slice %arg2[%dma_start3A_31, %dma_start3A_32] : memref<10000x72xf32, #tpu.memory_space<hbm>> -> memref<10000x72xf32, #tpu.memory_space<hbm>>
    %dma_start3A_34 = tpu.memref_slice %arg11[%dma_start3A_23] : memref<5x!tpu.dma_semaphore, #tpu.memory_space<semaphore_mem>> -> memref<1x!tpu.dma_semaphore, #tpu.memory_space<semaphore_mem>>
    %dma_start3A_35 = tpu.memref_squeeze %dma_start3A_34 : memref<1x!tpu.dma_semaphore, #tpu.memory_space<semaphore_mem>> -> memref<!tpu.dma_semaphore, #tpu.memory_space<semaphore_mem>>
    tpu.enqueue_indirect_dma source(%dma_start3A_33 : memref<10000x72xf32, #tpu.memory_space<hbm>>) target(%dma_start3A_27 : memref<80x72xf32, #tpu.memory_space<vmem>>) offsets(%dma_start3A_30 : memref<80xi32, #tpu.memory_space<vmem>>) semaphore(%dma_start3A_35 : memref<!tpu.dma_semaphore, #tpu.memory_space<semaphore_mem>>)
    %dma_start3A_36 = arith.constant 2 : i32
    %dma_start3A_37 = arith.constant 2 : i32
    %dma_start3A_38 = arith.constant 2 : i32
    %dma_start3A_39 = arith.constant 0 : i32
    %dma_start3A_40 = arith.constant 0 : i32
    %dma_start3A_41 = tpu.memref_slice %arg9[%dma_start3A_37, %dma_start3A_39, %dma_start3A_40] : memref<5x80x72xf32, #tpu.memory_space<vmem>> -> memref<1x80x72xf32, #tpu.memory_space<vmem>>
    %dma_start3A_42 = tpu.memref_squeeze %dma_start3A_41 : memref<1x80x72xf32, #tpu.memory_space<vmem>> -> memref<80x72xf32, #tpu.memory_space<vmem>>
    %dma_start3A_43 = arith.constant 0 : i32
    %dma_start3A_44 = tpu.memref_slice %arg7[%dma_start3A_36, %dma_start3A_43] : memref<125x80xi32, #tpu.memory_space<vmem>> -> memref<1x80xi32, #tpu.memory_space<vmem>>
    %dma_start3A_45 = tpu.memref_squeeze %dma_start3A_44 : memref<1x80xi32, #tpu.memory_space<vmem>> -> memref<80xi32, #tpu.memory_space<vmem>>
    %dma_start3A_46 = arith.constant 0 : i32
    %dma_start3A_47 = arith.constant 0 : i32
    %dma_start3A_48 = tpu.memref_slice %arg2[%dma_start3A_46, %dma_start3A_47] : memref<10000x72xf32, #tpu.memory_space<hbm>> -> memref<10000x72xf32, #tpu.memory_space<hbm>>
    %dma_start3A_49 = tpu.memref_slice %arg11[%dma_start3A_38] : memref<5x!tpu.dma_semaphore, #tpu.memory_space<semaphore_mem>> -> memref<1x!tpu.dma_semaphore, #tpu.memory_space<semaphore_mem>>
    %dma_start3A_50 = tpu.memref_squeeze %dma_start3A_49 : memref<1x!tpu.dma_semaphore, #tpu.memory_space<semaphore_mem>> -> memref<!tpu.dma_semaphore, #tpu.memory_space<semaphore_mem>>
    tpu.enqueue_indirect_dma source(%dma_start3A_48 : memref<10000x72xf32, #tpu.memory_space<hbm>>) target(%dma_start3A_42 : memref<80x72xf32, #tpu.memory_space<vmem>>) offsets(%dma_start3A_45 : memref<80xi32, #tpu.memory_space<vmem>>) semaphore(%dma_start3A_50 : memref<!tpu.dma_semaphore, #tpu.memory_space<semaphore_mem>>)
    %dma_start3A_51 = arith.constant 3 : i32
    %dma_start3A_52 = arith.constant 3 : i32
    %dma_start3A_53 = arith.constant 3 : i32
    %dma_start3A_54 = arith.constant 0 : i32
    %dma_start3A_55 = arith.constant 0 : i32
    %dma_start3A_56 = tpu.memref_slice %arg9[%dma_start3A_52, %dma_start3A_54, %dma_start3A_55] : memref<5x80x72xf32, #tpu.memory_space<vmem>> -> memref<1x80x72xf32, #tpu.memory_space<vmem>>
    %dma_start3A_57 = tpu.memref_squeeze %dma_start3A_56 : memref<1x80x72xf32, #tpu.memory_space<vmem>> -> memref<80x72xf32, #tpu.memory_space<vmem>>
    %dma_start3A_58 = arith.constant 0 : i32
    %dma_start3A_59 = tpu.memref_slice %arg7[%dma_start3A_51, %dma_start3A_58] : memref<125x80xi32, #tpu.memory_space<vmem>> -> memref<1x80xi32, #tpu.memory_space<vmem>>
    %dma_start3A_60 = tpu.memref_squeeze %dma_start3A_59 : memref<1x80xi32, #tpu.memory_space<vmem>> -> memref<80xi32, #tpu.memory_space<vmem>>
    %dma_start3A_61 = arith.constant 0 : i32
    %dma_start3A_62 = arith.constant 0 : i32
    %dma_start3A_63 = tpu.memref_slice %arg2[%dma_start3A_61, %dma_start3A_62] : memref<10000x72xf32, #tpu.memory_space<hbm>> -> memref<10000x72xf32, #tpu.memory_space<hbm>>
    %dma_start3A_64 = tpu.memref_slice %arg11[%dma_start3A_53] : memref<5x!tpu.dma_semaphore, #tpu.memory_space<semaphore_mem>> -> memref<1x!tpu.dma_semaphore, #tpu.memory_space<semaphore_mem>>
    %dma_start3A_65 = tpu.memref_squeeze %dma_start3A_64 : memref<1x!tpu.dma_semaphore, #tpu.memory_space<semaphore_mem>> -> memref<!tpu.dma_semaphore, #tpu.memory_space<semaphore_mem>>
    tpu.enqueue_indirect_dma source(%dma_start3A_63 : memref<10000x72xf32, #tpu.memory_space<hbm>>) target(%dma_start3A_57 : memref<80x72xf32, #tpu.memory_space<vmem>>) offsets(%dma_start3A_60 : memref<80xi32, #tpu.memory_space<vmem>>) semaphore(%dma_start3A_65 : memref<!tpu.dma_semaphore, #tpu.memory_space<semaphore_mem>>)
    %dma_start3A_66 = arith.constant 4 : i32
    %dma_start3A_67 = arith.constant 4 : i32
    %dma_start3A_68 = arith.constant 4 : i32
    %dma_start3A_69 = arith.constant 0 : i32
    %dma_start3A_70 = arith.constant 0 : i32
    %dma_start3A_71 = tpu.memref_slice %arg9[%dma_start3A_67, %dma_start3A_69, %dma_start3A_70] : memref<5x80x72xf32, #tpu.memory_space<vmem>> -> memref<1x80x72xf32, #tpu.memory_space<vmem>>
    %dma_start3A_72 = tpu.memref_squeeze %dma_start3A_71 : memref<1x80x72xf32, #tpu.memory_space<vmem>> -> memref<80x72xf32, #tpu.memory_space<vmem>>
    %dma_start3A_73 = arith.constant 0 : i32
    %dma_start3A_74 = tpu.memref_slice %arg7[%dma_start3A_66, %dma_start3A_73] : memref<125x80xi32, #tpu.memory_space<vmem>> -> memref<1x80xi32, #tpu.memory_space<vmem>>
    %dma_start3A_75 = tpu.memref_squeeze %dma_start3A_74 : memref<1x80xi32, #tpu.memory_space<vmem>> -> memref<80xi32, #tpu.memory_space<vmem>>
    %dma_start3A_76 = arith.constant 0 : i32
    %dma_start3A_77 = arith.constant 0 : i32
    %dma_start3A_78 = tpu.memref_slice %arg2[%dma_start3A_76, %dma_start3A_77] : memref<10000x72xf32, #tpu.memory_space<hbm>> -> memref<10000x72xf32, #tpu.memory_space<hbm>>
    %dma_start3A_79 = tpu.memref_slice %arg11[%dma_start3A_68] : memref<5x!tpu.dma_semaphore, #tpu.memory_space<semaphore_mem>> -> memref<1x!tpu.dma_semaphore, #tpu.memory_space<semaphore_mem>>
    %dma_start3A_80 = tpu.memref_squeeze %dma_start3A_79 : memref<1x!tpu.dma_semaphore, #tpu.memory_space<semaphore_mem>> -> memref<!tpu.dma_semaphore, #tpu.memory_space<semaphore_mem>>
    tpu.enqueue_indirect_dma source(%dma_start3A_78 : memref<10000x72xf32, #tpu.memory_space<hbm>>) target(%dma_start3A_72 : memref<80x72xf32, #tpu.memory_space<vmem>>) offsets(%dma_start3A_75 : memref<80xi32, #tpu.memory_space<vmem>>) semaphore(%dma_start3A_80 : memref<!tpu.dma_semaphore, #tpu.memory_space<semaphore_mem>>)
    %scan3A = arith.constant 0 : i32
    %scan3A_81 = arith.constant 0 : i32
    %scan3A_82 = arith.constant 25 : i32
    %scan3A_83 = arith.addi %scan3A_81, %scan3A_82 : i32
    %scan3A_84 = arith.constant 1 : i32
    scf.for %scan3A_94 = %scan3A_81 to %scan3A_83 step %scan3A_84  : i32 {
      %mul3A_95 = arith.constant 5 : i32
      %mul3A_96 = arith.muli %scan3A_94, %mul3A_95 : i32
      %add3A_97 = arith.constant 0 : i32
      %add3A_98 = arith.addi %mul3A_96, %add3A_97 : i32
      %dma_wait3A = arith.constant 0 : i32
      %dma_wait3A_99 = arith.constant 0 : i32
      %dma_wait3A_100 = arith.constant 0 : i32
      %dma_wait3A_101 = arith.constant 0 : i32
      %dma_wait3A_102 = tpu.memref_slice %arg9[%dma_wait3A, %dma_wait3A_100, %dma_wait3A_101] : memref<5x80x72xf32, #tpu.memory_space<vmem>> -> memref<1x80x72xf32, #tpu.memory_space<vmem>>
      %dma_wait3A_103 = tpu.memref_squeeze %dma_wait3A_102 : memref<1x80x72xf32, #tpu.memory_space<vmem>> -> memref<80x72xf32, #tpu.memory_space<vmem>>
      %dma_wait3A_104 = arith.constant 0 : i32
      %dma_wait3A_105 = tpu.memref_slice %arg7[%add3A_98, %dma_wait3A_104] : memref<125x80xi32, #tpu.memory_space<vmem>> -> memref<1x80xi32, #tpu.memory_space<vmem>>
      %dma_wait3A_106 = tpu.memref_squeeze %dma_wait3A_105 : memref<1x80xi32, #tpu.memory_space<vmem>> -> memref<80xi32, #tpu.memory_space<vmem>>
      %dma_wait3A_107 = arith.constant 0 : i32
      %dma_wait3A_108 = arith.constant 0 : i32
      %dma_wait3A_109 = tpu.memref_slice %arg2[%dma_wait3A_107, %dma_wait3A_108] : memref<10000x72xf32, #tpu.memory_space<hbm>> -> memref<10000x72xf32, #tpu.memory_space<hbm>>
      %dma_wait3A_110 = tpu.memref_slice %arg11[%dma_wait3A_99] : memref<5x!tpu.dma_semaphore, #tpu.memory_space<semaphore_mem>> -> memref<1x!tpu.dma_semaphore, #tpu.memory_space<semaphore_mem>>
      %dma_wait3A_111 = tpu.memref_squeeze %dma_wait3A_110 : memref<1x!tpu.dma_semaphore, #tpu.memory_space<semaphore_mem>> -> memref<!tpu.dma_semaphore, #tpu.memory_space<semaphore_mem>>
      tpu.wait_indirect_dma semaphore(%dma_wait3A_111 : memref<!tpu.dma_semaphore, #tpu.memory_space<semaphore_mem>>) src(%dma_wait3A_109 : memref<10000x72xf32, #tpu.memory_space<hbm>>) dst(%dma_wait3A_103 : memref<80x72xf32, #tpu.memory_space<vmem>>)
      %dma_start3A_112 = arith.constant 0 : i32
      %dma_start3A_113 = arith.constant 0 : i32
      %dma_start3A_114 = arith.constant 0 : i32
      %dma_start3A_115 = arith.constant 0 : i32
      %dma_start3A_116 = tpu.memref_slice %arg9[%dma_start3A_112, %dma_start3A_114, %dma_start3A_115] : memref<5x80x72xf32, #tpu.memory_space<vmem>> -> memref<1x80x72xf32, #tpu.memory_space<vmem>>
      %dma_start3A_117 = tpu.memref_squeeze %dma_start3A_116 : memref<1x80x72xf32, #tpu.memory_space<vmem>> -> memref<80x72xf32, #tpu.memory_space<vmem>>
      %dma_start3A_118 = arith.constant 0 : i32
      %dma_start3A_119 = tpu.memref_slice %arg8[%add3A_98, %dma_start3A_118] : memref<125x80xi32, #tpu.memory_space<vmem>> -> memref<1x80xi32, #tpu.memory_space<vmem>>
      %dma_start3A_120 = tpu.memref_squeeze %dma_start3A_119 : memref<1x80xi32, #tpu.memory_space<vmem>> -> memref<80xi32, #tpu.memory_space<vmem>>
      %dma_start3A_121 = arith.constant 0 : i32
      %dma_start3A_122 = arith.constant 0 : i32
      %dma_start3A_123 = tpu.memref_slice %arg10[%dma_start3A_121, %dma_start3A_122] : memref<10000x72xf32, #tpu.memory_space<vmem_shared>> -> memref<10000x72xf32, #tpu.memory_space<vmem_shared>>
      %dma_start3A_124 = tpu.memref_slice %arg12[%dma_start3A_113] : memref<5x!tpu.dma_semaphore, #tpu.memory_space<semaphore_mem>> -> memref<1x!tpu.dma_semaphore, #tpu.memory_space<semaphore_mem>>
      %dma_start3A_125 = tpu.memref_squeeze %dma_start3A_124 : memref<1x!tpu.dma_semaphore, #tpu.memory_space<semaphore_mem>> -> memref<!tpu.dma_semaphore, #tpu.memory_space<semaphore_mem>>
      tpu.enqueue_indirect_dma source(%dma_start3A_117 : memref<80x72xf32, #tpu.memory_space<vmem>>) target(%dma_start3A_123 : memref<10000x72xf32, #tpu.memory_space<vmem_shared>>) offsets(%dma_start3A_120 : memref<80xi32, #tpu.memory_space<vmem>>) semaphore(%dma_start3A_125 : memref<!tpu.dma_semaphore, #tpu.memory_space<semaphore_mem>>) {add = true}
      %mul3A_126 = arith.constant 5 : i32
      %mul3A_127 = arith.muli %scan3A_94, %mul3A_126 : i32
      %add3A_128 = arith.constant 1 : i32
      %add3A_129 = arith.addi %mul3A_127, %add3A_128 : i32
      %dma_wait3A_130 = arith.constant 1 : i32
      %dma_wait3A_131 = arith.constant 1 : i32
      %dma_wait3A_132 = arith.constant 0 : i32
      %dma_wait3A_133 = arith.constant 0 : i32
      %dma_wait3A_134 = tpu.memref_slice %arg9[%dma_wait3A_130, %dma_wait3A_132, %dma_wait3A_133] : memref<5x80x72xf32, #tpu.memory_space<vmem>> -> memref<1x80x72xf32, #tpu.memory_space<vmem>>
      %dma_wait3A_135 = tpu.memref_squeeze %dma_wait3A_134 : memref<1x80x72xf32, #tpu.memory_space<vmem>> -> memref<80x72xf32, #tpu.memory_space<vmem>>
      %dma_wait3A_136 = arith.constant 0 : i32
      %dma_wait3A_137 = tpu.memref_slice %arg7[%add3A_129, %dma_wait3A_136] : memref<125x80xi32, #tpu.memory_space<vmem>> -> memref<1x80xi32, #tpu.memory_space<vmem>>
      %dma_wait3A_138 = tpu.memref_squeeze %dma_wait3A_137 : memref<1x80xi32, #tpu.memory_space<vmem>> -> memref<80xi32, #tpu.memory_space<vmem>>
      %dma_wait3A_139 = arith.constant 0 : i32
      %dma_wait3A_140 = arith.constant 0 : i32
      %dma_wait3A_141 = tpu.memref_slice %arg2[%dma_wait3A_139, %dma_wait3A_140] : memref<10000x72xf32, #tpu.memory_space<hbm>> -> memref<10000x72xf32, #tpu.memory_space<hbm>>
      %dma_wait3A_142 = tpu.memref_slice %arg11[%dma_wait3A_131] : memref<5x!tpu.dma_semaphore, #tpu.memory_space<semaphore_mem>> -> memref<1x!tpu.dma_semaphore, #tpu.memory_space<semaphore_mem>>
      %dma_wait3A_143 = tpu.memref_squeeze %dma_wait3A_142 : memref<1x!tpu.dma_semaphore, #tpu.memory_space<semaphore_mem>> -> memref<!tpu.dma_semaphore, #tpu.memory_space<semaphore_mem>>
      tpu.wait_indirect_dma semaphore(%dma_wait3A_143 : memref<!tpu.dma_semaphore, #tpu.memory_space<semaphore_mem>>) src(%dma_wait3A_141 : memref<10000x72xf32, #tpu.memory_space<hbm>>) dst(%dma_wait3A_135 : memref<80x72xf32, #tpu.memory_space<vmem>>)
      %dma_start3A_144 = arith.constant 1 : i32
      %dma_start3A_145 = arith.constant 1 : i32
      %dma_start3A_146 = arith.constant 0 : i32
      %dma_start3A_147 = arith.constant 0 : i32
      %dma_start3A_148 = tpu.memref_slice %arg9[%dma_start3A_144, %dma_start3A_146, %dma_start3A_147] : memref<5x80x72xf32, #tpu.memory_space<vmem>> -> memref<1x80x72xf32, #tpu.memory_space<vmem>>
      %dma_start3A_149 = tpu.memref_squeeze %dma_start3A_148 : memref<1x80x72xf32, #tpu.memory_space<vmem>> -> memref<80x72xf32, #tpu.memory_space<vmem>>
      %dma_start3A_150 = arith.constant 0 : i32
      %dma_start3A_151 = tpu.memref_slice %arg8[%add3A_129, %dma_start3A_150] : memref<125x80xi32, #tpu.memory_space<vmem>> -> memref<1x80xi32, #tpu.memory_space<vmem>>
      %dma_start3A_152 = tpu.memref_squeeze %dma_start3A_151 : memref<1x80xi32, #tpu.memory_space<vmem>> -> memref<80xi32, #tpu.memory_space<vmem>>
      %dma_start3A_153 = arith.constant 0 : i32
      %dma_start3A_154 = arith.constant 0 : i32
      %dma_start3A_155 = tpu.memref_slice %arg10[%dma_start3A_153, %dma_start3A_154] : memref<10000x72xf32, #tpu.memory_space<vmem_shared>> -> memref<10000x72xf32, #tpu.memory_space<vmem_shared>>
      %dma_start3A_156 = tpu.memref_slice %arg12[%dma_start3A_145] : memref<5x!tpu.dma_semaphore, #tpu.memory_space<semaphore_mem>> -> memref<1x!tpu.dma_semaphore, #tpu.memory_space<semaphore_mem>>
      %dma_start3A_157 = tpu.memref_squeeze %dma_start3A_156 : memref<1x!tpu.dma_semaphore, #tpu.memory_space<semaphore_mem>> -> memref<!tpu.dma_semaphore, #tpu.memory_space<semaphore_mem>>
      tpu.enqueue_indirect_dma source(%dma_start3A_149 : memref<80x72xf32, #tpu.memory_space<vmem>>) target(%dma_start3A_155 : memref<10000x72xf32, #tpu.memory_space<vmem_shared>>) offsets(%dma_start3A_152 : memref<80xi32, #tpu.memory_space<vmem>>) semaphore(%dma_start3A_157 : memref<!tpu.dma_semaphore, #tpu.memory_space<semaphore_mem>>) {add = true}
      %mul3A_158 = arith.constant 5 : i32
      %mul3A_159 = arith.muli %scan3A_94, %mul3A_158 : i32
      %add3A_160 = arith.constant 2 : i32
      %add3A_161 = arith.addi %mul3A_159, %add3A_160 : i32
      %dma_wait3A_162 = arith.constant 2 : i32
      %dma_wait3A_163 = arith.constant 2 : i32
      %dma_wait3A_164 = arith.constant 0 : i32
      %dma_wait3A_165 = arith.constant 0 : i32
      %dma_wait3A_166 = tpu.memref_slice %arg9[%dma_wait3A_162, %dma_wait3A_164, %dma_wait3A_165] : memref<5x80x72xf32, #tpu.memory_space<vmem>> -> memref<1x80x72xf32, #tpu.memory_space<vmem>>
      %dma_wait3A_167 = tpu.memref_squeeze %dma_wait3A_166 : memref<1x80x72xf32, #tpu.memory_space<vmem>> -> memref<80x72xf32, #tpu.memory_space<vmem>>
      %dma_wait3A_168 = arith.constant 0 : i32
      %dma_wait3A_169 = tpu.memref_slice %arg7[%add3A_161, %dma_wait3A_168] : memref<125x80xi32, #tpu.memory_space<vmem>> -> memref<1x80xi32, #tpu.memory_space<vmem>>
      %dma_wait3A_170 = tpu.memref_squeeze %dma_wait3A_169 : memref<1x80xi32, #tpu.memory_space<vmem>> -> memref<80xi32, #tpu.memory_space<vmem>>
      %dma_wait3A_171 = arith.constant 0 : i32
      %dma_wait3A_172 = arith.constant 0 : i32
      %dma_wait3A_173 = tpu.memref_slice %arg2[%dma_wait3A_171, %dma_wait3A_172] : memref<10000x72xf32, #tpu.memory_space<hbm>> -> memref<10000x72xf32, #tpu.memory_space<hbm>>
      %dma_wait3A_174 = tpu.memref_slice %arg11[%dma_wait3A_163] : memref<5x!tpu.dma_semaphore, #tpu.memory_space<semaphore_mem>> -> memref<1x!tpu.dma_semaphore, #tpu.memory_space<semaphore_mem>>
      %dma_wait3A_175 = tpu.memref_squeeze %dma_wait3A_174 : memref<1x!tpu.dma_semaphore, #tpu.memory_space<semaphore_mem>> -> memref<!tpu.dma_semaphore, #tpu.memory_space<semaphore_mem>>
      tpu.wait_indirect_dma semaphore(%dma_wait3A_175 : memref<!tpu.dma_semaphore, #tpu.memory_space<semaphore_mem>>) src(%dma_wait3A_173 : memref<10000x72xf32, #tpu.memory_space<hbm>>) dst(%dma_wait3A_167 : memref<80x72xf32, #tpu.memory_space<vmem>>)
      %dma_start3A_176 = arith.constant 2 : i32
      %dma_start3A_177 = arith.constant 2 : i32
      %dma_start3A_178 = arith.constant 0 : i32
      %dma_start3A_179 = arith.constant 0 : i32
      %dma_start3A_180 = tpu.memref_slice %arg9[%dma_start3A_176, %dma_start3A_178, %dma_start3A_179] : memref<5x80x72xf32, #tpu.memory_space<vmem>> -> memref<1x80x72xf32, #tpu.memory_space<vmem>>
      %dma_start3A_181 = tpu.memref_squeeze %dma_start3A_180 : memref<1x80x72xf32, #tpu.memory_space<vmem>> -> memref<80x72xf32, #tpu.memory_space<vmem>>
      %dma_start3A_182 = arith.constant 0 : i32
      %dma_start3A_183 = tpu.memref_slice %arg8[%add3A_161, %dma_start3A_182] : memref<125x80xi32, #tpu.memory_space<vmem>> -> memref<1x80xi32, #tpu.memory_space<vmem>>
      %dma_start3A_184 = tpu.memref_squeeze %dma_start3A_183 : memref<1x80xi32, #tpu.memory_space<vmem>> -> memref<80xi32, #tpu.memory_space<vmem>>
      %dma_start3A_185 = arith.constant 0 : i32
      %dma_start3A_186 = arith.constant 0 : i32
      %dma_start3A_187 = tpu.memref_slice %arg10[%dma_start3A_185, %dma_start3A_186] : memref<10000x72xf32, #tpu.memory_space<vmem_shared>> -> memref<10000x72xf32, #tpu.memory_space<vmem_shared>>
      %dma_start3A_188 = tpu.memref_slice %arg12[%dma_start3A_177] : memref<5x!tpu.dma_semaphore, #tpu.memory_space<semaphore_mem>> -> memref<1x!tpu.dma_semaphore, #tpu.memory_space<semaphore_mem>>
      %dma_start3A_189 = tpu.memref_squeeze %dma_start3A_188 : memref<1x!tpu.dma_semaphore, #tpu.memory_space<semaphore_mem>> -> memref<!tpu.dma_semaphore, #tpu.memory_space<semaphore_mem>>
      tpu.enqueue_indirect_dma source(%dma_start3A_181 : memref<80x72xf32, #tpu.memory_space<vmem>>) target(%dma_start3A_187 : memref<10000x72xf32, #tpu.memory_space<vmem_shared>>) offsets(%dma_start3A_184 : memref<80xi32, #tpu.memory_space<vmem>>) semaphore(%dma_start3A_189 : memref<!tpu.dma_semaphore, #tpu.memory_space<semaphore_mem>>) {add = true}
      %mul3A_190 = arith.constant 5 : i32
      %mul3A_191 = arith.muli %scan3A_94, %mul3A_190 : i32
      %add3A_192 = arith.constant 3 : i32
      %add3A_193 = arith.addi %mul3A_191, %add3A_192 : i32
      %dma_wait3A_194 = arith.constant 3 : i32
      %dma_wait3A_195 = arith.constant 3 : i32
      %dma_wait3A_196 = arith.constant 0 : i32
      %dma_wait3A_197 = arith.constant 0 : i32
      %dma_wait3A_198 = tpu.memref_slice %arg9[%dma_wait3A_194, %dma_wait3A_196, %dma_wait3A_197] : memref<5x80x72xf32, #tpu.memory_space<vmem>> -> memref<1x80x72xf32, #tpu.memory_space<vmem>>
      %dma_wait3A_199 = tpu.memref_squeeze %dma_wait3A_198 : memref<1x80x72xf32, #tpu.memory_space<vmem>> -> memref<80x72xf32, #tpu.memory_space<vmem>>
      %dma_wait3A_200 = arith.constant 0 : i32
      %dma_wait3A_201 = tpu.memref_slice %arg7[%add3A_193, %dma_wait3A_200] : memref<125x80xi32, #tpu.memory_space<vmem>> -> memref<1x80xi32, #tpu.memory_space<vmem>>
      %dma_wait3A_202 = tpu.memref_squeeze %dma_wait3A_201 : memref<1x80xi32, #tpu.memory_space<vmem>> -> memref<80xi32, #tpu.memory_space<vmem>>
      %dma_wait3A_203 = arith.constant 0 : i32
      %dma_wait3A_204 = arith.constant 0 : i32
      %dma_wait3A_205 = tpu.memref_slice %arg2[%dma_wait3A_203, %dma_wait3A_204] : memref<10000x72xf32, #tpu.memory_space<hbm>> -> memref<10000x72xf32, #tpu.memory_space<hbm>>
      %dma_wait3A_206 = tpu.memref_slice %arg11[%dma_wait3A_195] : memref<5x!tpu.dma_semaphore, #tpu.memory_space<semaphore_mem>> -> memref<1x!tpu.dma_semaphore, #tpu.memory_space<semaphore_mem>>
      %dma_wait3A_207 = tpu.memref_squeeze %dma_wait3A_206 : memref<1x!tpu.dma_semaphore, #tpu.memory_space<semaphore_mem>> -> memref<!tpu.dma_semaphore, #tpu.memory_space<semaphore_mem>>
      tpu.wait_indirect_dma semaphore(%dma_wait3A_207 : memref<!tpu.dma_semaphore, #tpu.memory_space<semaphore_mem>>) src(%dma_wait3A_205 : memref<10000x72xf32, #tpu.memory_space<hbm>>) dst(%dma_wait3A_199 : memref<80x72xf32, #tpu.memory_space<vmem>>)
      %dma_start3A_208 = arith.constant 3 : i32
      %dma_start3A_209 = arith.constant 3 : i32
      %dma_start3A_210 = arith.constant 0 : i32
      %dma_start3A_211 = arith.constant 0 : i32
      %dma_start3A_212 = tpu.memref_slice %arg9[%dma_start3A_208, %dma_start3A_210, %dma_start3A_211] : memref<5x80x72xf32, #tpu.memory_space<vmem>> -> memref<1x80x72xf32, #tpu.memory_space<vmem>>
      %dma_start3A_213 = tpu.memref_squeeze %dma_start3A_212 : memref<1x80x72xf32, #tpu.memory_space<vmem>> -> memref<80x72xf32, #tpu.memory_space<vmem>>
      %dma_start3A_214 = arith.constant 0 : i32
      %dma_start3A_215 = tpu.memref_slice %arg8[%add3A_193, %dma_start3A_214] : memref<125x80xi32, #tpu.memory_space<vmem>> -> memref<1x80xi32, #tpu.memory_space<vmem>>
      %dma_start3A_216 = tpu.memref_squeeze %dma_start3A_215 : memref<1x80xi32, #tpu.memory_space<vmem>> -> memref<80xi32, #tpu.memory_space<vmem>>
      %dma_start3A_217 = arith.constant 0 : i32
      %dma_start3A_218 = arith.constant 0 : i32
      %dma_start3A_219 = tpu.memref_slice %arg10[%dma_start3A_217, %dma_start3A_218] : memref<10000x72xf32, #tpu.memory_space<vmem_shared>> -> memref<10000x72xf32, #tpu.memory_space<vmem_shared>>
      %dma_start3A_220 = tpu.memref_slice %arg12[%dma_start3A_209] : memref<5x!tpu.dma_semaphore, #tpu.memory_space<semaphore_mem>> -> memref<1x!tpu.dma_semaphore, #tpu.memory_space<semaphore_mem>>
      %dma_start3A_221 = tpu.memref_squeeze %dma_start3A_220 : memref<1x!tpu.dma_semaphore, #tpu.memory_space<semaphore_mem>> -> memref<!tpu.dma_semaphore, #tpu.memory_space<semaphore_mem>>
      tpu.enqueue_indirect_dma source(%dma_start3A_213 : memref<80x72xf32, #tpu.memory_space<vmem>>) target(%dma_start3A_219 : memref<10000x72xf32, #tpu.memory_space<vmem_shared>>) offsets(%dma_start3A_216 : memref<80xi32, #tpu.memory_space<vmem>>) semaphore(%dma_start3A_221 : memref<!tpu.dma_semaphore, #tpu.memory_space<semaphore_mem>>) {add = true}
      %mul3A_222 = arith.constant 5 : i32
      %mul3A_223 = arith.muli %scan3A_94, %mul3A_222 : i32
      %add3A_224 = arith.constant 4 : i32
      %add3A_225 = arith.addi %mul3A_223, %add3A_224 : i32
      %dma_wait3A_226 = arith.constant 4 : i32
      %dma_wait3A_227 = arith.constant 4 : i32
      %dma_wait3A_228 = arith.constant 0 : i32
      %dma_wait3A_229 = arith.constant 0 : i32
      %dma_wait3A_230 = tpu.memref_slice %arg9[%dma_wait3A_226, %dma_wait3A_228, %dma_wait3A_229] : memref<5x80x72xf32, #tpu.memory_space<vmem>> -> memref<1x80x72xf32, #tpu.memory_space<vmem>>
      %dma_wait3A_231 = tpu.memref_squeeze %dma_wait3A_230 : memref<1x80x72xf32, #tpu.memory_space<vmem>> -> memref<80x72xf32, #tpu.memory_space<vmem>>
      %dma_wait3A_232 = arith.constant 0 : i32
      %dma_wait3A_233 = tpu.memref_slice %arg7[%add3A_225, %dma_wait3A_232] : memref<125x80xi32, #tpu.memory_space<vmem>> -> memref<1x80xi32, #tpu.memory_space<vmem>>
      %dma_wait3A_234 = tpu.memref_squeeze %dma_wait3A_233 : memref<1x80xi32, #tpu.memory_space<vmem>> -> memref<80xi32, #tpu.memory_space<vmem>>
      %dma_wait3A_235 = arith.constant 0 : i32
      %dma_wait3A_236 = arith.constant 0 : i32
      %dma_wait3A_237 = tpu.memref_slice %arg2[%dma_wait3A_235, %dma_wait3A_236] : memref<10000x72xf32, #tpu.memory_space<hbm>> -> memref<10000x72xf32, #tpu.memory_space<hbm>>
      %dma_wait3A_238 = tpu.memref_slice %arg11[%dma_wait3A_227] : memref<5x!tpu.dma_semaphore, #tpu.memory_space<semaphore_mem>> -> memref<1x!tpu.dma_semaphore, #tpu.memory_space<semaphore_mem>>
      %dma_wait3A_239 = tpu.memref_squeeze %dma_wait3A_238 : memref<1x!tpu.dma_semaphore, #tpu.memory_space<semaphore_mem>> -> memref<!tpu.dma_semaphore, #tpu.memory_space<semaphore_mem>>
      tpu.wait_indirect_dma semaphore(%dma_wait3A_239 : memref<!tpu.dma_semaphore, #tpu.memory_space<semaphore_mem>>) src(%dma_wait3A_237 : memref<10000x72xf32, #tpu.memory_space<hbm>>) dst(%dma_wait3A_231 : memref<80x72xf32, #tpu.memory_space<vmem>>)
      %dma_start3A_240 = arith.constant 4 : i32
      %dma_start3A_241 = arith.constant 4 : i32
      %dma_start3A_242 = arith.constant 0 : i32
      %dma_start3A_243 = arith.constant 0 : i32
      %dma_start3A_244 = tpu.memref_slice %arg9[%dma_start3A_240, %dma_start3A_242, %dma_start3A_243] : memref<5x80x72xf32, #tpu.memory_space<vmem>> -> memref<1x80x72xf32, #tpu.memory_space<vmem>>
      %dma_start3A_245 = tpu.memref_squeeze %dma_start3A_244 : memref<1x80x72xf32, #tpu.memory_space<vmem>> -> memref<80x72xf32, #tpu.memory_space<vmem>>
      %dma_start3A_246 = arith.constant 0 : i32
      %dma_start3A_247 = tpu.memref_slice %arg8[%add3A_225, %dma_start3A_246] : memref<125x80xi32, #tpu.memory_space<vmem>> -> memref<1x80xi32, #tpu.memory_space<vmem>>
      %dma_start3A_248 = tpu.memref_squeeze %dma_start3A_247 : memref<1x80xi32, #tpu.memory_space<vmem>> -> memref<80xi32, #tpu.memory_space<vmem>>
      %dma_start3A_249 = arith.constant 0 : i32
      %dma_start3A_250 = arith.constant 0 : i32
      %dma_start3A_251 = tpu.memref_slice %arg10[%dma_start3A_249, %dma_start3A_250] : memref<10000x72xf32, #tpu.memory_space<vmem_shared>> -> memref<10000x72xf32, #tpu.memory_space<vmem_shared>>
      %dma_start3A_252 = tpu.memref_slice %arg12[%dma_start3A_241] : memref<5x!tpu.dma_semaphore, #tpu.memory_space<semaphore_mem>> -> memref<1x!tpu.dma_semaphore, #tpu.memory_space<semaphore_mem>>
      %dma_start3A_253 = tpu.memref_squeeze %dma_start3A_252 : memref<1x!tpu.dma_semaphore, #tpu.memory_space<semaphore_mem>> -> memref<!tpu.dma_semaphore, #tpu.memory_space<semaphore_mem>>
      tpu.enqueue_indirect_dma source(%dma_start3A_245 : memref<80x72xf32, #tpu.memory_space<vmem>>) target(%dma_start3A_251 : memref<10000x72xf32, #tpu.memory_space<vmem_shared>>) offsets(%dma_start3A_248 : memref<80xi32, #tpu.memory_space<vmem>>) semaphore(%dma_start3A_253 : memref<!tpu.dma_semaphore, #tpu.memory_space<semaphore_mem>>) {add = true}
      %mul3A_254 = arith.constant 5 : i32
      %mul3A_255 = arith.muli %scan3A_94, %mul3A_254 : i32
      %add3A_256 = arith.constant 0 : i32
      %add3A_257 = arith.addi %mul3A_255, %add3A_256 : i32
      %dma_wait3A_258 = arith.constant 0 : i32
      %dma_wait3A_259 = arith.constant 0 : i32
      %dma_wait3A_260 = arith.constant 0 : i32
      %dma_wait3A_261 = arith.constant 0 : i32
      %dma_wait3A_262 = tpu.memref_slice %arg9[%dma_wait3A_258, %dma_wait3A_260, %dma_wait3A_261] : memref<5x80x72xf32, #tpu.memory_space<vmem>> -> memref<1x80x72xf32, #tpu.memory_space<vmem>>
      %dma_wait3A_263 = tpu.memref_squeeze %dma_wait3A_262 : memref<1x80x72xf32, #tpu.memory_space<vmem>> -> memref<80x72xf32, #tpu.memory_space<vmem>>
      %dma_wait3A_264 = arith.constant 0 : i32
      %dma_wait3A_265 = tpu.memref_slice %arg8[%add3A_257, %dma_wait3A_264] : memref<125x80xi32, #tpu.memory_space<vmem>> -> memref<1x80xi32, #tpu.memory_space<vmem>>
      %dma_wait3A_266 = tpu.memref_squeeze %dma_wait3A_265 : memref<1x80xi32, #tpu.memory_space<vmem>> -> memref<80xi32, #tpu.memory_space<vmem>>
      %dma_wait3A_267 = arith.constant 0 : i32
      %dma_wait3A_268 = arith.constant 0 : i32
      %dma_wait3A_269 = tpu.memref_slice %arg10[%dma_wait3A_267, %dma_wait3A_268] : memref<10000x72xf32, #tpu.memory_space<vmem_shared>> -> memref<10000x72xf32, #tpu.memory_space<vmem_shared>>
      %dma_wait3A_270 = tpu.memref_slice %arg12[%dma_wait3A_259] : memref<5x!tpu.dma_semaphore, #tpu.memory_space<semaphore_mem>> -> memref<1x!tpu.dma_semaphore, #tpu.memory_space<semaphore_mem>>
      %dma_wait3A_271 = tpu.memref_squeeze %dma_wait3A_270 : memref<1x!tpu.dma_semaphore, #tpu.memory_space<semaphore_mem>> -> memref<!tpu.dma_semaphore, #tpu.memory_space<semaphore_mem>>
      tpu.wait_indirect_dma semaphore(%dma_wait3A_271 : memref<!tpu.dma_semaphore, #tpu.memory_space<semaphore_mem>>) src(%dma_wait3A_263 : memref<80x72xf32, #tpu.memory_space<vmem>>) dst(%dma_wait3A_269 : memref<10000x72xf32, #tpu.memory_space<vmem_shared>>)
      %lt3A = arith.constant 24 : i32
      %lt3A_272 = arith.cmpi slt, %scan3A_94, %lt3A : i32
      %convert_element_type3A = arith.extui %lt3A_272 : i1 to i32
      %cond3A = arith.constant 0 : i32
      %cond3A_273 = arith.cmpi ne, %convert_element_type3A, %cond3A : i32
      scf.if %cond3A_273 {
        %add3A_366 = arith.constant 5 : i32
        %add3A_367 = arith.addi %add3A_257, %add3A_366 : i32
        %dma_start3A_368 = arith.constant 0 : i32
        %dma_start3A_369 = arith.constant 0 : i32
        %dma_start3A_370 = arith.constant 0 : i32
        %dma_start3A_371 = arith.constant 0 : i32
        %dma_start3A_372 = tpu.memref_slice %arg9[%dma_start3A_368, %dma_start3A_370, %dma_start3A_371] : memref<5x80x72xf32, #tpu.memory_space<vmem>> -> memref<1x80x72xf32, #tpu.memory_space<vmem>>
        %dma_start3A_373 = tpu.memref_squeeze %dma_start3A_372 : memref<1x80x72xf32, #tpu.memory_space<vmem>> -> memref<80x72xf32, #tpu.memory_space<vmem>>
        %dma_start3A_374 = arith.constant 0 : i32
        %dma_start3A_375 = tpu.memref_slice %arg7[%add3A_367, %dma_start3A_374] : memref<125x80xi32, #tpu.memory_space<vmem>> -> memref<1x80xi32, #tpu.memory_space<vmem>>
        %dma_start3A_376 = tpu.memref_squeeze %dma_start3A_375 : memref<1x80xi32, #tpu.memory_space<vmem>> -> memref<80xi32, #tpu.memory_space<vmem>>
        %dma_start3A_377 = arith.constant 0 : i32
        %dma_start3A_378 = arith.constant 0 : i32
        %dma_start3A_379 = tpu.memref_slice %arg2[%dma_start3A_377, %dma_start3A_378] : memref<10000x72xf32, #tpu.memory_space<hbm>> -> memref<10000x72xf32, #tpu.memory_space<hbm>>
        %dma_start3A_380 = tpu.memref_slice %arg11[%dma_start3A_369] : memref<5x!tpu.dma_semaphore, #tpu.memory_space<semaphore_mem>> -> memref<1x!tpu.dma_semaphore, #tpu.memory_space<semaphore_mem>>
        %dma_start3A_381 = tpu.memref_squeeze %dma_start3A_380 : memref<1x!tpu.dma_semaphore, #tpu.memory_space<semaphore_mem>> -> memref<!tpu.dma_semaphore, #tpu.memory_space<semaphore_mem>>
        tpu.enqueue_indirect_dma source(%dma_start3A_379 : memref<10000x72xf32, #tpu.memory_space<hbm>>) target(%dma_start3A_373 : memref<80x72xf32, #tpu.memory_space<vmem>>) offsets(%dma_start3A_376 : memref<80xi32, #tpu.memory_space<vmem>>) semaphore(%dma_start3A_381 : memref<!tpu.dma_semaphore, #tpu.memory_space<semaphore_mem>>)
      } else {
      }
      %mul3A_274 = arith.constant 5 : i32
      %mul3A_275 = arith.muli %scan3A_94, %mul3A_274 : i32
      %add3A_276 = arith.constant 1 : i32
      %add3A_277 = arith.addi %mul3A_275, %add3A_276 : i32
      %dma_wait3A_278 = arith.constant 1 : i32
      %dma_wait3A_279 = arith.constant 1 : i32
      %dma_wait3A_280 = arith.constant 0 : i32
      %dma_wait3A_281 = arith.constant 0 : i32
      %dma_wait3A_282 = tpu.memref_slice %arg9[%dma_wait3A_278, %dma_wait3A_280, %dma_wait3A_281] : memref<5x80x72xf32, #tpu.memory_space<vmem>> -> memref<1x80x72xf32, #tpu.memory_space<vmem>>
      %dma_wait3A_283 = tpu.memref_squeeze %dma_wait3A_282 : memref<1x80x72xf32, #tpu.memory_space<vmem>> -> memref<80x72xf32, #tpu.memory_space<vmem>>
      %dma_wait3A_284 = arith.constant 0 : i32
      %dma_wait3A_285 = tpu.memref_slice %arg8[%add3A_277, %dma_wait3A_284] : memref<125x80xi32, #tpu.memory_space<vmem>> -> memref<1x80xi32, #tpu.memory_space<vmem>>
      %dma_wait3A_286 = tpu.memref_squeeze %dma_wait3A_285 : memref<1x80xi32, #tpu.memory_space<vmem>> -> memref<80xi32, #tpu.memory_space<vmem>>
      %dma_wait3A_287 = arith.constant 0 : i32
      %dma_wait3A_288 = arith.constant 0 : i32
      %dma_wait3A_289 = tpu.memref_slice %arg10[%dma_wait3A_287, %dma_wait3A_288] : memref<10000x72xf32, #tpu.memory_space<vmem_shared>> -> memref<10000x72xf32, #tpu.memory_space<vmem_shared>>
      %dma_wait3A_290 = tpu.memref_slice %arg12[%dma_wait3A_279] : memref<5x!tpu.dma_semaphore, #tpu.memory_space<semaphore_mem>> -> memref<1x!tpu.dma_semaphore, #tpu.memory_space<semaphore_mem>>
      %dma_wait3A_291 = tpu.memref_squeeze %dma_wait3A_290 : memref<1x!tpu.dma_semaphore, #tpu.memory_space<semaphore_mem>> -> memref<!tpu.dma_semaphore, #tpu.memory_space<semaphore_mem>>
      tpu.wait_indirect_dma semaphore(%dma_wait3A_291 : memref<!tpu.dma_semaphore, #tpu.memory_space<semaphore_mem>>) src(%dma_wait3A_283 : memref<80x72xf32, #tpu.memory_space<vmem>>) dst(%dma_wait3A_289 : memref<10000x72xf32, #tpu.memory_space<vmem_shared>>)
      %lt3A_292 = arith.constant 24 : i32
      %lt3A_293 = arith.cmpi slt, %scan3A_94, %lt3A_292 : i32
      %convert_element_type3A_294 = arith.extui %lt3A_293 : i1 to i32
      %cond3A_295 = arith.constant 0 : i32
      %cond3A_296 = arith.cmpi ne, %convert_element_type3A_294, %cond3A_295 : i32
      scf.if %cond3A_296 {
        %add3A_366 = arith.constant 5 : i32
        %add3A_367 = arith.addi %add3A_277, %add3A_366 : i32
        %dma_start3A_368 = arith.constant 1 : i32
        %dma_start3A_369 = arith.constant 1 : i32
        %dma_start3A_370 = arith.constant 0 : i32
        %dma_start3A_371 = arith.constant 0 : i32
        %dma_start3A_372 = tpu.memref_slice %arg9[%dma_start3A_368, %dma_start3A_370, %dma_start3A_371] : memref<5x80x72xf32, #tpu.memory_space<vmem>> -> memref<1x80x72xf32, #tpu.memory_space<vmem>>
        %dma_start3A_373 = tpu.memref_squeeze %dma_start3A_372 : memref<1x80x72xf32, #tpu.memory_space<vmem>> -> memref<80x72xf32, #tpu.memory_space<vmem>>
        %dma_start3A_374 = arith.constant 0 : i32
        %dma_start3A_375 = tpu.memref_slice %arg7[%add3A_367, %dma_start3A_374] : memref<125x80xi32, #tpu.memory_space<vmem>> -> memref<1x80xi32, #tpu.memory_space<vmem>>
        %dma_start3A_376 = tpu.memref_squeeze %dma_start3A_375 : memref<1x80xi32, #tpu.memory_space<vmem>> -> memref<80xi32, #tpu.memory_space<vmem>>
        %dma_start3A_377 = arith.constant 0 : i32
        %dma_start3A_378 = arith.constant 0 : i32
        %dma_start3A_379 = tpu.memref_slice %arg2[%dma_start3A_377, %dma_start3A_378] : memref<10000x72xf32, #tpu.memory_space<hbm>> -> memref<10000x72xf32, #tpu.memory_space<hbm>>
        %dma_start3A_380 = tpu.memref_slice %arg11[%dma_start3A_369] : memref<5x!tpu.dma_semaphore, #tpu.memory_space<semaphore_mem>> -> memref<1x!tpu.dma_semaphore, #tpu.memory_space<semaphore_mem>>
        %dma_start3A_381 = tpu.memref_squeeze %dma_start3A_380 : memref<1x!tpu.dma_semaphore, #tpu.memory_space<semaphore_mem>> -> memref<!tpu.dma_semaphore, #tpu.memory_space<semaphore_mem>>
        tpu.enqueue_indirect_dma source(%dma_start3A_379 : memref<10000x72xf32, #tpu.memory_space<hbm>>) target(%dma_start3A_373 : memref<80x72xf32, #tpu.memory_space<vmem>>) offsets(%dma_start3A_376 : memref<80xi32, #tpu.memory_space<vmem>>) semaphore(%dma_start3A_381 : memref<!tpu.dma_semaphore, #tpu.memory_space<semaphore_mem>>)
      } else {
      }
      %mul3A_297 = arith.constant 5 : i32
      %mul3A_298 = arith.muli %scan3A_94, %mul3A_297 : i32
      %add3A_299 = arith.constant 2 : i32
      %add3A_300 = arith.addi %mul3A_298, %add3A_299 : i32
      %dma_wait3A_301 = arith.constant 2 : i32
      %dma_wait3A_302 = arith.constant 2 : i32
      %dma_wait3A_303 = arith.constant 0 : i32
      %dma_wait3A_304 = arith.constant 0 : i32
      %dma_wait3A_305 = tpu.memref_slice %arg9[%dma_wait3A_301, %dma_wait3A_303, %dma_wait3A_304] : memref<5x80x72xf32, #tpu.memory_space<vmem>> -> memref<1x80x72xf32, #tpu.memory_space<vmem>>
      %dma_wait3A_306 = tpu.memref_squeeze %dma_wait3A_305 : memref<1x80x72xf32, #tpu.memory_space<vmem>> -> memref<80x72xf32, #tpu.memory_space<vmem>>
      %dma_wait3A_307 = arith.constant 0 : i32
      %dma_wait3A_308 = tpu.memref_slice %arg8[%add3A_300, %dma_wait3A_307] : memref<125x80xi32, #tpu.memory_space<vmem>> -> memref<1x80xi32, #tpu.memory_space<vmem>>
      %dma_wait3A_309 = tpu.memref_squeeze %dma_wait3A_308 : memref<1x80xi32, #tpu.memory_space<vmem>> -> memref<80xi32, #tpu.memory_space<vmem>>
      %dma_wait3A_310 = arith.constant 0 : i32
      %dma_wait3A_311 = arith.constant 0 : i32
      %dma_wait3A_312 = tpu.memref_slice %arg10[%dma_wait3A_310, %dma_wait3A_311] : memref<10000x72xf32, #tpu.memory_space<vmem_shared>> -> memref<10000x72xf32, #tpu.memory_space<vmem_shared>>
      %dma_wait3A_313 = tpu.memref_slice %arg12[%dma_wait3A_302] : memref<5x!tpu.dma_semaphore, #tpu.memory_space<semaphore_mem>> -> memref<1x!tpu.dma_semaphore, #tpu.memory_space<semaphore_mem>>
      %dma_wait3A_314 = tpu.memref_squeeze %dma_wait3A_313 : memref<1x!tpu.dma_semaphore, #tpu.memory_space<semaphore_mem>> -> memref<!tpu.dma_semaphore, #tpu.memory_space<semaphore_mem>>
      tpu.wait_indirect_dma semaphore(%dma_wait3A_314 : memref<!tpu.dma_semaphore, #tpu.memory_space<semaphore_mem>>) src(%dma_wait3A_306 : memref<80x72xf32, #tpu.memory_space<vmem>>) dst(%dma_wait3A_312 : memref<10000x72xf32, #tpu.memory_space<vmem_shared>>)
      %lt3A_315 = arith.constant 24 : i32
      %lt3A_316 = arith.cmpi slt, %scan3A_94, %lt3A_315 : i32
      %convert_element_type3A_317 = arith.extui %lt3A_316 : i1 to i32
      %cond3A_318 = arith.constant 0 : i32
      %cond3A_319 = arith.cmpi ne, %convert_element_type3A_317, %cond3A_318 : i32
      scf.if %cond3A_319 {
        %add3A_366 = arith.constant 5 : i32
        %add3A_367 = arith.addi %add3A_300, %add3A_366 : i32
        %dma_start3A_368 = arith.constant 2 : i32
        %dma_start3A_369 = arith.constant 2 : i32
        %dma_start3A_370 = arith.constant 0 : i32
        %dma_start3A_371 = arith.constant 0 : i32
        %dma_start3A_372 = tpu.memref_slice %arg9[%dma_start3A_368, %dma_start3A_370, %dma_start3A_371] : memref<5x80x72xf32, #tpu.memory_space<vmem>> -> memref<1x80x72xf32, #tpu.memory_space<vmem>>
        %dma_start3A_373 = tpu.memref_squeeze %dma_start3A_372 : memref<1x80x72xf32, #tpu.memory_space<vmem>> -> memref<80x72xf32, #tpu.memory_space<vmem>>
        %dma_start3A_374 = arith.constant 0 : i32
        %dma_start3A_375 = tpu.memref_slice %arg7[%add3A_367, %dma_start3A_374] : memref<125x80xi32, #tpu.memory_space<vmem>> -> memref<1x80xi32, #tpu.memory_space<vmem>>
        %dma_start3A_376 = tpu.memref_squeeze %dma_start3A_375 : memref<1x80xi32, #tpu.memory_space<vmem>> -> memref<80xi32, #tpu.memory_space<vmem>>
        %dma_start3A_377 = arith.constant 0 : i32
        %dma_start3A_378 = arith.constant 0 : i32
        %dma_start3A_379 = tpu.memref_slice %arg2[%dma_start3A_377, %dma_start3A_378] : memref<10000x72xf32, #tpu.memory_space<hbm>> -> memref<10000x72xf32, #tpu.memory_space<hbm>>
        %dma_start3A_380 = tpu.memref_slice %arg11[%dma_start3A_369] : memref<5x!tpu.dma_semaphore, #tpu.memory_space<semaphore_mem>> -> memref<1x!tpu.dma_semaphore, #tpu.memory_space<semaphore_mem>>
        %dma_start3A_381 = tpu.memref_squeeze %dma_start3A_380 : memref<1x!tpu.dma_semaphore, #tpu.memory_space<semaphore_mem>> -> memref<!tpu.dma_semaphore, #tpu.memory_space<semaphore_mem>>
        tpu.enqueue_indirect_dma source(%dma_start3A_379 : memref<10000x72xf32, #tpu.memory_space<hbm>>) target(%dma_start3A_373 : memref<80x72xf32, #tpu.memory_space<vmem>>) offsets(%dma_start3A_376 : memref<80xi32, #tpu.memory_space<vmem>>) semaphore(%dma_start3A_381 : memref<!tpu.dma_semaphore, #tpu.memory_space<semaphore_mem>>)
      } else {
      }
      %mul3A_320 = arith.constant 5 : i32
      %mul3A_321 = arith.muli %scan3A_94, %mul3A_320 : i32
      %add3A_322 = arith.constant 3 : i32
      %add3A_323 = arith.addi %mul3A_321, %add3A_322 : i32
      %dma_wait3A_324 = arith.constant 3 : i32
      %dma_wait3A_325 = arith.constant 3 : i32
      %dma_wait3A_326 = arith.constant 0 : i32
      %dma_wait3A_327 = arith.constant 0 : i32
      %dma_wait3A_328 = tpu.memref_slice %arg9[%dma_wait3A_324, %dma_wait3A_326, %dma_wait3A_327] : memref<5x80x72xf32, #tpu.memory_space<vmem>> -> memref<1x80x72xf32, #tpu.memory_space<vmem>>
      %dma_wait3A_329 = tpu.memref_squeeze %dma_wait3A_328 : memref<1x80x72xf32, #tpu.memory_space<vmem>> -> memref<80x72xf32, #tpu.memory_space<vmem>>
      %dma_wait3A_330 = arith.constant 0 : i32
      %dma_wait3A_331 = tpu.memref_slice %arg8[%add3A_323, %dma_wait3A_330] : memref<125x80xi32, #tpu.memory_space<vmem>> -> memref<1x80xi32, #tpu.memory_space<vmem>>
      %dma_wait3A_332 = tpu.memref_squeeze %dma_wait3A_331 : memref<1x80xi32, #tpu.memory_space<vmem>> -> memref<80xi32, #tpu.memory_space<vmem>>
      %dma_wait3A_333 = arith.constant 0 : i32
      %dma_wait3A_334 = arith.constant 0 : i32
      %dma_wait3A_335 = tpu.memref_slice %arg10[%dma_wait3A_333, %dma_wait3A_334] : memref<10000x72xf32, #tpu.memory_space<vmem_shared>> -> memref<10000x72xf32, #tpu.memory_space<vmem_shared>>
      %dma_wait3A_336 = tpu.memref_slice %arg12[%dma_wait3A_325] : memref<5x!tpu.dma_semaphore, #tpu.memory_space<semaphore_mem>> -> memref<1x!tpu.dma_semaphore, #tpu.memory_space<semaphore_mem>>
      %dma_wait3A_337 = tpu.memref_squeeze %dma_wait3A_336 : memref<1x!tpu.dma_semaphore, #tpu.memory_space<semaphore_mem>> -> memref<!tpu.dma_semaphore, #tpu.memory_space<semaphore_mem>>
      tpu.wait_indirect_dma semaphore(%dma_wait3A_337 : memref<!tpu.dma_semaphore, #tpu.memory_space<semaphore_mem>>) src(%dma_wait3A_329 : memref<80x72xf32, #tpu.memory_space<vmem>>) dst(%dma_wait3A_335 : memref<10000x72xf32, #tpu.memory_space<vmem_shared>>)
      %lt3A_338 = arith.constant 24 : i32
      %lt3A_339 = arith.cmpi slt, %scan3A_94, %lt3A_338 : i32
      %convert_element_type3A_340 = arith.extui %lt3A_339 : i1 to i32
      %cond3A_341 = arith.constant 0 : i32
      %cond3A_342 = arith.cmpi ne, %convert_element_type3A_340, %cond3A_341 : i32
      scf.if %cond3A_342 {
        %add3A_366 = arith.constant 5 : i32
        %add3A_367 = arith.addi %add3A_323, %add3A_366 : i32
        %dma_start3A_368 = arith.constant 3 : i32
        %dma_start3A_369 = arith.constant 3 : i32
        %dma_start3A_370 = arith.constant 0 : i32
        %dma_start3A_371 = arith.constant 0 : i32
        %dma_start3A_372 = tpu.memref_slice %arg9[%dma_start3A_368, %dma_start3A_370, %dma_start3A_371] : memref<5x80x72xf32, #tpu.memory_space<vmem>> -> memref<1x80x72xf32, #tpu.memory_space<vmem>>
        %dma_start3A_373 = tpu.memref_squeeze %dma_start3A_372 : memref<1x80x72xf32, #tpu.memory_space<vmem>> -> memref<80x72xf32, #tpu.memory_space<vmem>>
        %dma_start3A_374 = arith.constant 0 : i32
        %dma_start3A_375 = tpu.memref_slice %arg7[%add3A_367, %dma_start3A_374] : memref<125x80xi32, #tpu.memory_space<vmem>> -> memref<1x80xi32, #tpu.memory_space<vmem>>
        %dma_start3A_376 = tpu.memref_squeeze %dma_start3A_375 : memref<1x80xi32, #tpu.memory_space<vmem>> -> memref<80xi32, #tpu.memory_space<vmem>>
        %dma_start3A_377 = arith.constant 0 : i32
        %dma_start3A_378 = arith.constant 0 : i32
        %dma_start3A_379 = tpu.memref_slice %arg2[%dma_start3A_377, %dma_start3A_378] : memref<10000x72xf32, #tpu.memory_space<hbm>> -> memref<10000x72xf32, #tpu.memory_space<hbm>>
        %dma_start3A_380 = tpu.memref_slice %arg11[%dma_start3A_369] : memref<5x!tpu.dma_semaphore, #tpu.memory_space<semaphore_mem>> -> memref<1x!tpu.dma_semaphore, #tpu.memory_space<semaphore_mem>>
        %dma_start3A_381 = tpu.memref_squeeze %dma_start3A_380 : memref<1x!tpu.dma_semaphore, #tpu.memory_space<semaphore_mem>> -> memref<!tpu.dma_semaphore, #tpu.memory_space<semaphore_mem>>
        tpu.enqueue_indirect_dma source(%dma_start3A_379 : memref<10000x72xf32, #tpu.memory_space<hbm>>) target(%dma_start3A_373 : memref<80x72xf32, #tpu.memory_space<vmem>>) offsets(%dma_start3A_376 : memref<80xi32, #tpu.memory_space<vmem>>) semaphore(%dma_start3A_381 : memref<!tpu.dma_semaphore, #tpu.memory_space<semaphore_mem>>)
      } else {
      }
      %mul3A_343 = arith.constant 5 : i32
      %mul3A_344 = arith.muli %scan3A_94, %mul3A_343 : i32
      %add3A_345 = arith.constant 4 : i32
      %add3A_346 = arith.addi %mul3A_344, %add3A_345 : i32
      %dma_wait3A_347 = arith.constant 4 : i32
      %dma_wait3A_348 = arith.constant 4 : i32
      %dma_wait3A_349 = arith.constant 0 : i32
      %dma_wait3A_350 = arith.constant 0 : i32
      %dma_wait3A_351 = tpu.memref_slice %arg9[%dma_wait3A_347, %dma_wait3A_349, %dma_wait3A_350] : memref<5x80x72xf32, #tpu.memory_space<vmem>> -> memref<1x80x72xf32, #tpu.memory_space<vmem>>
      %dma_wait3A_352 = tpu.memref_squeeze %dma_wait3A_351 : memref<1x80x72xf32, #tpu.memory_space<vmem>> -> memref<80x72xf32, #tpu.memory_space<vmem>>
      %dma_wait3A_353 = arith.constant 0 : i32
      %dma_wait3A_354 = tpu.memref_slice %arg8[%add3A_346, %dma_wait3A_353] : memref<125x80xi32, #tpu.memory_space<vmem>> -> memref<1x80xi32, #tpu.memory_space<vmem>>
      %dma_wait3A_355 = tpu.memref_squeeze %dma_wait3A_354 : memref<1x80xi32, #tpu.memory_space<vmem>> -> memref<80xi32, #tpu.memory_space<vmem>>
      %dma_wait3A_356 = arith.constant 0 : i32
      %dma_wait3A_357 = arith.constant 0 : i32
      %dma_wait3A_358 = tpu.memref_slice %arg10[%dma_wait3A_356, %dma_wait3A_357] : memref<10000x72xf32, #tpu.memory_space<vmem_shared>> -> memref<10000x72xf32, #tpu.memory_space<vmem_shared>>
      %dma_wait3A_359 = tpu.memref_slice %arg12[%dma_wait3A_348] : memref<5x!tpu.dma_semaphore, #tpu.memory_space<semaphore_mem>> -> memref<1x!tpu.dma_semaphore, #tpu.memory_space<semaphore_mem>>
      %dma_wait3A_360 = tpu.memref_squeeze %dma_wait3A_359 : memref<1x!tpu.dma_semaphore, #tpu.memory_space<semaphore_mem>> -> memref<!tpu.dma_semaphore, #tpu.memory_space<semaphore_mem>>
      tpu.wait_indirect_dma semaphore(%dma_wait3A_360 : memref<!tpu.dma_semaphore, #tpu.memory_space<semaphore_mem>>) src(%dma_wait3A_352 : memref<80x72xf32, #tpu.memory_space<vmem>>) dst(%dma_wait3A_358 : memref<10000x72xf32, #tpu.memory_space<vmem_shared>>)
      %lt3A_361 = arith.constant 24 : i32
      %lt3A_362 = arith.cmpi slt, %scan3A_94, %lt3A_361 : i32
      %convert_element_type3A_363 = arith.extui %lt3A_362 : i1 to i32
      %cond3A_364 = arith.constant 0 : i32
      %cond3A_365 = arith.cmpi ne, %convert_element_type3A_363, %cond3A_364 : i32
      scf.if %cond3A_365 {
        %add3A_366 = arith.constant 5 : i32
        %add3A_367 = arith.addi %add3A_346, %add3A_366 : i32
        %dma_start3A_368 = arith.constant 4 : i32
        %dma_start3A_369 = arith.constant 4 : i32
        %dma_start3A_370 = arith.constant 0 : i32
        %dma_start3A_371 = arith.constant 0 : i32
        %dma_start3A_372 = tpu.memref_slice %arg9[%dma_start3A_368, %dma_start3A_370, %dma_start3A_371] : memref<5x80x72xf32, #tpu.memory_space<vmem>> -> memref<1x80x72xf32, #tpu.memory_space<vmem>>
        %dma_start3A_373 = tpu.memref_squeeze %dma_start3A_372 : memref<1x80x72xf32, #tpu.memory_space<vmem>> -> memref<80x72xf32, #tpu.memory_space<vmem>>
        %dma_start3A_374 = arith.constant 0 : i32
        %dma_start3A_375 = tpu.memref_slice %arg7[%add3A_367, %dma_start3A_374] : memref<125x80xi32, #tpu.memory_space<vmem>> -> memref<1x80xi32, #tpu.memory_space<vmem>>
        %dma_start3A_376 = tpu.memref_squeeze %dma_start3A_375 : memref<1x80xi32, #tpu.memory_space<vmem>> -> memref<80xi32, #tpu.memory_space<vmem>>
        %dma_start3A_377 = arith.constant 0 : i32
        %dma_start3A_378 = arith.constant 0 : i32
        %dma_start3A_379 = tpu.memref_slice %arg2[%dma_start3A_377, %dma_start3A_378] : memref<10000x72xf32, #tpu.memory_space<hbm>> -> memref<10000x72xf32, #tpu.memory_space<hbm>>
        %dma_start3A_380 = tpu.memref_slice %arg11[%dma_start3A_369] : memref<5x!tpu.dma_semaphore, #tpu.memory_space<semaphore_mem>> -> memref<1x!tpu.dma_semaphore, #tpu.memory_space<semaphore_mem>>
        %dma_start3A_381 = tpu.memref_squeeze %dma_start3A_380 : memref<1x!tpu.dma_semaphore, #tpu.memory_space<semaphore_mem>> -> memref<!tpu.dma_semaphore, #tpu.memory_space<semaphore_mem>>
        tpu.enqueue_indirect_dma source(%dma_start3A_379 : memref<10000x72xf32, #tpu.memory_space<hbm>>) target(%dma_start3A_373 : memref<80x72xf32, #tpu.memory_space<vmem>>) offsets(%dma_start3A_376 : memref<80xi32, #tpu.memory_space<vmem>>) semaphore(%dma_start3A_381 : memref<!tpu.dma_semaphore, #tpu.memory_space<semaphore_mem>>)
      } else {
      }
    }
    %scan3A_85 = arith.constant 25 : i32
    %barrier3A_86 = arith.constant 0 : index
    tpu.barrier barrier_id(%barrier3A_86)
    %mul3A_87 = arith.constant 625 : i32
    %mul3A_88 = arith.muli %arg1, %mul3A_87 : i32
    %mul3A_89 = arith.constant 10000 : i32
    %mul3A_90 = arith.muli %arg0, %mul3A_89 : i32
    %mul3A_91 = arith.constant 625 : i32
    %mul3A_92 = arith.muli %arg1, %mul3A_91 : i32
    %add3A_93 = arith.addi %mul3A_90, %mul3A_92 : i32
    "tpu.region"() ({
      %run_scoped3A = tpu.sem_alloc : memref<!tpu.dma_semaphore, #tpu.memory_space<semaphore_mem>>
      %dma_start3A_94 = arith.constant 0 : i32
      %dma_start3A_95 = tpu.memref_slice %arg6[%add3A_93, %dma_start3A_94] : memref<20000x72xf32, #tpu.memory_space<hbm>> -> memref<625x72xf32, #tpu.memory_space<hbm>>
      %dma_start3A_96 = arith.constant 0 : i32
      %dma_start3A_97 = tpu.memref_slice %arg10[%mul3A_88, %dma_start3A_96] : memref<10000x72xf32, #tpu.memory_space<vmem_shared>> -> memref<625x72xf32, #tpu.memory_space<vmem_shared>>
      tpu.enqueue_dma source(%dma_start3A_97 : memref<625x72xf32, #tpu.memory_space<vmem_shared>>) target(%dma_start3A_95 : memref<625x72xf32, #tpu.memory_space<hbm>>) target_semaphore(%run_scoped3A : memref<!tpu.dma_semaphore, #tpu.memory_space<semaphore_mem>>)
      %dma_wait3A = arith.constant 0 : i32
      %dma_wait3A_98 = tpu.memref_slice %arg6[%add3A_93, %dma_wait3A] : memref<20000x72xf32, #tpu.memory_space<hbm>> -> memref<625x72xf32, #tpu.memory_space<hbm>>
      %dma_wait3A_99 = arith.constant 0 : i32
      %dma_wait3A_100 = tpu.memref_slice %arg10[%mul3A_88, %dma_wait3A_99] : memref<10000x72xf32, #tpu.memory_space<vmem_shared>> -> memref<625x72xf32, #tpu.memory_space<vmem_shared>>
      tpu.wait_dma2 semaphore(%run_scoped3A : memref<!tpu.dma_semaphore, #tpu.memory_space<semaphore_mem>>) src(%dma_wait3A_100 : memref<625x72xf32, #tpu.memory_space<vmem_shared>>) dst(%dma_wait3A_98 : memref<625x72xf32, #tpu.memory_space<hbm>>)
      tpu.yield
    }) : () -> ()
    return
  }
}

module attributes {stable_mosaic.version = 14 : i64} {
  func.func @_table_body(%arg0: memref<10000x128xf32, #tpu.memory_space<vmem>>, %arg1: memref<128x64xf32, #tpu.memory_space<vmem>>, %arg2: memref<10000x72xf32, #tpu.memory_space<vmem>>) attributes {dimension_semantics = [], scalar_prefetch = 0 : i64, scratch_operands = 0 : i64, tpu.core_type = #tpu.core_type<tc>} {
    %get3A = arith.constant 0 : index
    %get3A_0 = arith.constant 0 : index
    %get3A_1 = vector.load %arg0[%get3A, %get3A_0] : memref<10000x128xf32, #tpu.memory_space<vmem>>, vector<10000x128xf32>
    %get3A_2 = arith.constant 0 : index
    %get3A_3 = arith.constant 0 : index
    %get3A_4 = vector.load %arg1[%get3A_2, %get3A_3] : memref<128x64xf32, #tpu.memory_space<vmem>>, vector<128x64xf32>
    %dot_general3A = arith.constant dense<0.000000e+00> : vector<10000x64xf32>
    %dot_general3A_5 = tpu.matmul %get3A_1, %get3A_4, %dot_general3A {dimension_numbers = #tpu.dot_dimension_numbers<[1], [0], [0], [1], [0, 0, 1, 1], [], []>, transpose_lhs_hint = false} : vector<10000x128xf32>, vector<128x64xf32>, vector<10000x64xf32> -> vector<10000x64xf32>
    %iota3A = tpu.iota {dimensions = array<i32: 1>} : vector<10000x8xi32>
    %eq3A = arith.constant 0 : i32
    %eq3A_6 = vector.broadcast %eq3A : i32 to vector<10000x8xi32>
    %eq3A_7 = arith.cmpi eq, %iota3A, %eq3A_6 : vector<10000x8xi32>
    %jit3A = arith.constant 1.000000e+00 : f32
    %jit3A_8 = arith.constant 0.000000e+00 : f32
    %broadcast_in_dim3A = vector.broadcast %jit3A : f32 to vector<10000x8xf32>
    %broadcast_in_dim3A_9 = vector.broadcast %jit3A_8 : f32 to vector<10000x8xf32>
    %select_n3A = arith.select %eq3A_7, %broadcast_in_dim3A, %broadcast_in_dim3A_9 : vector<10000x8xi1>, vector<10000x8xf32>
    %concatenate3A = tpu.concatenate %dot_general3A_5, %select_n3A in 1 : vector<10000x64xf32>, vector<10000x8xf32> -> vector<10000x72xf32>
    %swap3A = arith.constant 0 : index
    %swap3A_10 = arith.constant 0 : index
    %swap3A_11 = vector.load %arg2[%swap3A, %swap3A_10] : memref<10000x72xf32, #tpu.memory_space<vmem>>, vector<10000x72xf32>
    tpu.vector_store %arg2[%swap3A, %swap3A_10], %concatenate3A {strides = array<i32>} : memref<10000x72xf32, #tpu.memory_space<vmem>>, vector<10000x72xf32>,
    return
  }
}

module attributes {stable_mosaic.version = 14 : i64} {
  func.func @_final_body(%arg0: memref<10000x72xf32, #tpu.memory_space<vmem>>, %arg1: memref<20000x72xf32, #tpu.memory_space<vmem>>, %arg2: memref<10000x128xf32, #tpu.memory_space<vmem>>, %arg3: memref<1x64xf32, #tpu.memory_space<vmem>>, %arg4: memref<64x32xf32, #tpu.memory_space<vmem>>, %arg5: memref<32x128xf32, #tpu.memory_space<vmem>>, %arg6: memref<1x128xf32, #tpu.memory_space<vmem>>, %arg7: memref<10000x1xi32, #tpu.memory_space<vmem>>, %arg8: memref<2x64xf32, #tpu.memory_space<vmem>>) attributes {dimension_semantics = [], scalar_prefetch = 0 : i64, scratch_operands = 0 : i64, tpu.core_type = #tpu.core_type<tc>} {
    %get3A = arith.constant 0 : index
    %get3A_0 = arith.constant 0 : index
    %get3A_1 = vector.load %arg1[%get3A, %get3A_0] : memref<20000x72xf32, #tpu.memory_space<vmem>>, vector<10000x72xf32>
    %get3A_2 = arith.constant 10000 : index
    %get3A_3 = arith.constant 0 : index
    %get3A_4 = vector.load %arg1[%get3A_2, %get3A_3] : memref<20000x72xf32, #tpu.memory_space<vmem>>, vector<10000x72xf32>
    %add3A = arith.addf %get3A_1, %get3A_4 : vector<10000x72xf32>
    %slice3A = vector.extract_strided_slice %add3A {offsets = [0, 0], sizes = [10000, 64], strides = [1, 1]} : vector<10000x72xf32> to vector<10000x64xf32>
    %slice3A_5 = vector.extract_strided_slice %add3A {offsets = [0, 64], sizes = [10000, 1], strides = [1, 1]} : vector<10000x72xf32> to vector<10000x1xf32>
    %get3A_6 = arith.constant 0 : index
    %get3A_7 = arith.constant 0 : index
    %get3A_8 = vector.load %arg0[%get3A_6, %get3A_7] : memref<10000x72xf32, #tpu.memory_space<vmem>>, vector<10000x64xf32>
    %max3A = arith.constant 1.000000e+00 : f32
    %max3A_9 = vector.broadcast %max3A : f32 to vector<10000x1xf32>
    %max3A_10 = arith.maximumf %slice3A_5, %max3A_9 : vector<10000x1xf32>
    %div3A = vector.broadcast %max3A_10 : vector<10000x1xf32> to vector<10000x64xf32>
    %div3A_11 = arith.divf %slice3A, %div3A : vector<10000x64xf32>
    %add3A_12 = arith.addf %get3A_8, %div3A_11 : vector<10000x64xf32>
    %get3A_13 = arith.constant 0 : index
    %get3A_14 = arith.constant 0 : index
    %get3A_15 = vector.load %arg3[%get3A_13, %get3A_14] : memref<1x64xf32, #tpu.memory_space<vmem>>, vector<1x64xf32>
    %add3A_16 = vector.broadcast %get3A_15 : vector<1x64xf32> to vector<10000x64xf32>
    %add3A_17 = arith.addf %add3A_12, %add3A_16 : vector<10000x64xf32>
    %max3A_18 = arith.constant 0.000000e+00 : f32
    %max3A_19 = vector.broadcast %max3A_18 : f32 to vector<10000x64xf32>
    %max3A_20 = arith.maximumf %add3A_17, %max3A_19 : vector<10000x64xf32>
    %get3A_21 = arith.constant 0 : index
    %get3A_22 = arith.constant 0 : index
    %get3A_23 = vector.load %arg4[%get3A_21, %get3A_22] : memref<64x32xf32, #tpu.memory_space<vmem>>, vector<64x32xf32>
    %get3A_24 = arith.constant 0 : index
    %get3A_25 = arith.constant 0 : index
    %get3A_26 = vector.load %arg5[%get3A_24, %get3A_25] : memref<32x128xf32, #tpu.memory_space<vmem>>, vector<32x128xf32>
    %dot_general3A = arith.constant dense<0.000000e+00> : vector<64x128xf32>
    %dot_general3A_27 = tpu.matmul %get3A_23, %get3A_26, %dot_general3A {dimension_numbers = #tpu.dot_dimension_numbers<[1], [0], [0], [1], [0, 0, 1, 1], [], []>, transpose_lhs_hint = false} : vector<64x32xf32>, vector<32x128xf32>, vector<64x128xf32> -> vector<64x128xf32>
    %iota3A = tpu.iota {dimensions = array<i32: 1>} : vector<1x128xi32>
    %gt3A = arith.constant 0 : i32
    %gt3A_28 = vector.broadcast %gt3A : i32 to vector<1x128xi32>
    %gt3A_29 = arith.cmpi sgt, %iota3A, %gt3A_28 : vector<1x128xi32>
    %convert_element_type3A = arith.extui %gt3A_29 : vector<1x128xi1> to vector<1x128xi32>
    %convert_element_type3A_30 = arith.sitofp %convert_element_type3A : vector<1x128xi32> to vector<1x128xf32>
    %dot_general3A_31 = arith.constant dense<0.000000e+00> : vector<10000x128xf32>
    %dot_general3A_32 = tpu.matmul %max3A_20, %dot_general3A_27, %dot_general3A_31 {dimension_numbers = #tpu.dot_dimension_numbers<[1], [0], [0], [1], [0, 0, 1, 1], [], []>, transpose_lhs_hint = false} : vector<10000x64xf32>, vector<64x128xf32>, vector<10000x128xf32> -> vector<10000x128xf32>
    %get3A_33 = arith.constant 0 : index
    %get3A_34 = arith.constant 0 : index
    %get3A_35 = vector.load %arg6[%get3A_33, %get3A_34] : memref<1x128xf32, #tpu.memory_space<vmem>>, vector<1x128xf32>
    %add3A_36 = vector.broadcast %get3A_35 : vector<1x128xf32> to vector<10000x128xf32>
    %add3A_37 = arith.addf %dot_general3A_32, %add3A_36 : vector<10000x128xf32>
    %get3A_38 = arith.constant 0 : index
    %get3A_39 = arith.constant 0 : index
    %get3A_40 = vector.load %arg2[%get3A_38, %get3A_39] : memref<10000x128xf32, #tpu.memory_space<vmem>>, vector<10000x128xf32>
    %mul3A = vector.broadcast %convert_element_type3A_30 : vector<1x128xf32> to vector<10000x128xf32>
    %mul3A_41 = arith.mulf %get3A_40, %mul3A : vector<10000x128xf32>
    %sub3A = arith.subf %add3A_37, %mul3A_41 : vector<10000x128xf32>
    %mul3A_42 = arith.mulf %sub3A, %sub3A : vector<10000x128xf32>
    %reduce_sum3A = arith.constant dense<0.000000e+00> : vector<10000xf32>
    %reduce_sum3A_43 = vector.multi_reduction <add>, %mul3A_42, %reduce_sum3A [1] : vector<10000x128xf32> to vector<10000xf32>
    %broadcast_in_dim3A = vector.shape_cast %reduce_sum3A_43 : vector<10000xf32> to vector<10000x1xf32>
    %mul3A_44 = arith.constant 0.00787401571 : f32
    %mul3A_45 = vector.broadcast %mul3A_44 : f32 to vector<10000x1xf32>
    %mul3A_46 = arith.mulf %broadcast_in_dim3A, %mul3A_45 : vector<10000x1xf32>
    %get3A_47 = arith.constant 0 : index
    %get3A_48 = arith.constant 0 : index
    %get3A_49 = vector.load %arg7[%get3A_47, %get3A_48] : memref<10000x1xi32, #tpu.memory_space<vmem>>, vector<10000x1xi32>
    %iota3A_50 = tpu.iota {dimensions = array<i32: 1>} : vector<10000x64xi32>
    %eq3A = vector.broadcast %get3A_49 : vector<10000x1xi32> to vector<10000x64xi32>
    %eq3A_51 = arith.cmpi eq, %eq3A, %iota3A_50 : vector<10000x64xi32>
    %convert_element_type3A_52 = arith.extui %eq3A_51 : vector<10000x64xi1> to vector<10000x64xi32>
    %convert_element_type3A_53 = arith.sitofp %convert_element_type3A_52 : vector<10000x64xi32> to vector<10000x64xf32>
    %mul3A_54 = vector.broadcast %mul3A_46 : vector<10000x1xf32> to vector<10000x64xf32>
    %mul3A_55 = arith.mulf %mul3A_54, %convert_element_type3A_53 : vector<10000x64xf32>
    %reduce_sum3A_56 = arith.constant dense<0.000000e+00> : vector<64xf32>
    %reduce_sum3A_57 = vector.multi_reduction <add>, %mul3A_55, %reduce_sum3A_56 [0] : vector<10000x64xf32> to vector<64xf32>
    %broadcast_in_dim3A_58 = vector.shape_cast %reduce_sum3A_57 : vector<64xf32> to vector<1x64xf32>
    %reduce_sum3A_59 = arith.constant dense<0.000000e+00> : vector<64xf32>
    %reduce_sum3A_60 = vector.multi_reduction <add>, %convert_element_type3A_53, %reduce_sum3A_59 [0] : vector<10000x64xf32> to vector<64xf32>
    %broadcast_in_dim3A_61 = vector.shape_cast %reduce_sum3A_60 : vector<64xf32> to vector<1x64xf32>
    %max3A_62 = arith.constant 1.000000e+00 : f32
    %max3A_63 = vector.broadcast %max3A_62 : f32 to vector<1x64xf32>
    %max3A_64 = arith.maximumf %broadcast_in_dim3A_61, %max3A_63 : vector<1x64xf32>
    %div3A_65 = arith.divf %broadcast_in_dim3A_58, %max3A_64 : vector<1x64xf32>
    %neg3A = arith.constant 0.000000e+00 : f32
    %neg3A_66 = vector.broadcast %neg3A : f32 to vector<1x64xf32>
    %neg3A_67 = arith.subf %neg3A_66, %div3A_65 : vector<1x64xf32>
    %concatenate3A = tpu.concatenate %neg3A_67, %div3A_65 in 0 : vector<1x64xf32>, vector<1x64xf32> -> vector<2x64xf32>
    %swap3A = arith.constant 0 : index
    %swap3A_68 = arith.constant 0 : index
    %swap3A_69 = vector.load %arg8[%swap3A, %swap3A_68] : memref<2x64xf32, #tpu.memory_space<vmem>>, vector<2x64xf32>
    tpu.vector_store %arg8[%swap3A, %swap3A_68], %concatenate3A {strides = array<i32>} : memref<2x64xf32, #tpu.memory_space<vmem>>, vector<2x64xf32>,
    return
  }
}

</mosaic_0001>

<sc_bundles>
// kernel: kernel.5.cloned.1.call-start
scs
__scs_entry_jumppad:
0x0: {  	(pc) =	sbr.rel $0x88, $3  }
0x1: {  	(tag) =	ssettag $0x0;
	lr =	simm.s32 $0x1  }
0x2: {  	[smem:$0x3F99] =	sst lr;
	_ =	strace $0xD0000000  }
0x3: {  	_ = 	snop  }
0x4: {  	_ = 	snop  }
0x5: {  	_ = 	snop  }
0x6: {  	_ = 	snop  }
0x7: {  	_ = 	snop  }
__scs_overlays_trampoline_lowered:
0x8: {  	[smem:$0x3FA8] =	sst s0  }
0x9: {  	[smem:$0x3FA9] =	sst s1  }
0xa: {  	[smem:$0x3FAA] =	sst s2  }
0xb: {  	[smem:$0x3FAB] =	sst s3  }
0xc: {  	[smem:$0x3FAC] =	sst s4  }
0xd: {  	[smem:$0x3FAD] =	sst s5  }
0xe: {  	[smem:$0x3FAE] =	sst s6  }
0xf: {  	[smem:$0x3FAF] =	sst s7  }
0x10: {  	[smem:$0x3FB0] =	sst s8  }
0x11: {  	[smem:$0x3FB1] =	sst s9;
	s0 =	simm.s32 @!p0 $0x0  }
0x12: {  	s1 =	sld [smem:$0x3F97];
	s0 =	simm.s32 @p0 $0x1  }
0x13: {  	[smem:$0x3FB2] =	sst s0;
	s0 =	simm.s32 @!p1 $0x0  }
0x14: {  	s2 =	sld [smem:$0x3F96];
	s0 =	simm.s32 @p1 $0x1  }
0x15: {  	[smem:$0x3FB3] =	sst s0;
	s0 =	simm.s32 @!p2 $0x0  }
0x16: {  	s3 =	sld [smem:$0x3FDB];
	s0 =	simm.s32 @p2 $0x1  }
0x17: {  	s4 =	simm.s32 $0x1BF5;
	[smem:$0x3FB5] =	sst s0  }
0x18: {  	s0 =	sld [smem:$0x3F98];
	_ =	swait.ge [sflag:s4], $0x0  }
0x19: {  	s7 =	sld [smem:$0x3F99]  }
0x1a: {  	s8 =	sadd.s32 $0xFFFFE003, lr  }
0x1b: {  	s9 =	sadd.s32 $0xFFFFFEF7, lr;
	s5 =	simm.s32 $0xFFFFFFFF;
	p2 =	slt.u32 s8, $0xFFFFF086  }
0x1c: {  	p1 =	slt.u32 s9, $0xF7A;
	s5 =	simm.s32 @!p2 $0x0  }
0x1d: {  	s5 =	simm.s32 @p1 $0x1;
	p0 =	seq.s32 s7, s2  }
0x1e: {  	s7 =	smul.u32 @!p0 $0xF7A, s2;
	p2 =	seq.s32 @!p0 s5, $0x0  }
0x1f: {  	s9 =	smul.u32 $0xF7A, s1;
	s8 =	simm.s32 @!p0 $0x1BF5;
	p2 =	por !p2, p0  }
0x20: {  	[sflag:s8] =	ssyncset.s32 @!p0 $0xFFFFF086;
	s6 =	sadd.s32 @!p0 s3, s7;
	s7 =	simm.s32 @!p0 $0x108  }
0x21: {  	s3 =	sadd.s32 s3, s9;
	s6 =	sadd.s32 @!p0 $0x88, s6;
	s7 =	simm.s32 @p2 $0x1082  }
0x22: {  	[simem:s7], [sflag:s8] =	dma.local @!p0 [hbm:s6], $0xF7A  }
0x23: {  	s9 =	sor.u32 $0xD0000000, s2;
	s6 =	simm.s32 $0x108;
	_ =	swait.ge @!p0 [sflag:s8], $0x0  }
0x24: {  	s3 =	sadd.s32 $0x88, s3;
	s6 =	simm.s32 @!p1 $0x1082;
	[sflag:s4] =	ssyncset.s32 $0xFFFFF086  }
0x25: {  	[simem:s6], [sflag:s4] =	dma.local [hbm:s3], $0xF7A  }
0x26: {  	[smem:$0x3F99] =	sst s1;
	(tag) =	ssettag s2;
	_ =	strace s9  }
0x27: {  	s1 =	sld [smem:$0x3FA9]  }
0x28: {  	s2 =	sld [smem:$0x3FAA]  }
0x29: {  	s4 =	sld [smem:$0x3FAC]  }
0x2a: {  	p0 =	seq.s32 s5, $0x0;
	s5 =	sld [smem:$0x3FAD]  }
0x2b: {  	s6 =	sld [smem:$0x3FAE]  }
0x2c: {  	s7 =	sld [smem:$0x3FAF]  }
0x2d: {  	s3 =	simm.s32 $0x108;
	s8 =	sld [smem:$0x3FB0]  }
0x2e: {  	s3 =	simm.s32 @!p0 $0x1082;
	s9 =	sld [smem:$0x3FB1]  }
0x2f: {  	lr =	sadd.s32 s0, s3;
	s0 =	sld [smem:$0x3FA8]  }
0x30: {  	s3 =	sld [smem:$0x3FAB]  }
0x31: {  	[smem:$0x3FB4] =	sst s10  }
0x32: {  	s10 =	sld [smem:$0x3FB2];
	_ =	sdelay $0x3  }
0x33: {  	p0 =	seq.s32 s10, $0x1;
	s10 =	sld [smem:$0x3FB4];
	_ =	sdelay $0x3  }
0x34: {  	[smem:$0x3FB4] =	sst s10  }
0x35: {  	s10 =	sld [smem:$0x3FB3];
	_ =	sdelay $0x3  }
0x36: {  	p1 =	seq.s32 s10, $0x1;
	s10 =	sld [smem:$0x3FB4];
	_ =	sdelay $0x3  }
0x37: {  	[smem:$0x3FB4] =	sst s10  }
0x38: {  	s10 =	sld [smem:$0x3FB5]  }
0x39: {  	_ = 	snop;
	(pc) =	sbr.ind lr, $3  }
0x3a: {  	_ = 	snop  }
0x3b: {  	_ = 	snop  }
0x3c: {  	p2 =	seq.s32 s10, $0x1;
	s10 =	sld [smem:$0x3FB4]  }
0x3d: {  	_ =	shalt  }
0x3e: {  	_ =	shalt  }
0x3f: {  	_ =	shalt  }
0x40: {  	_ =	shalt  }
0x41: {  	_ =	shalt  }
0x42: {  	_ =	shalt  }
0x43: {  	_ =	shalt  }
0x44: {  	_ =	shalt  }
0x45: {  	_ =	shalt  }
0x46: {  	_ =	shalt  }
0x47: {  	_ =	shalt  }
0x48: {  	_ =	shalt  }
0x49: {  	_ =	shalt  }
0x4a: {  	_ =	shalt  }
0x4b: {  	_ =	shalt  }
0x4c: {  	_ =	shalt  }
0x4d: {  	_ =	shalt  }
0x4e: {  	_ =	shalt  }
0x4f: {  	_ =	shalt  }
0x50: {  	_ =	shalt  }
0x51: {  	_ =	shalt  }
0x52: {  	_ =	shalt  }
0x53: {  	_ =	shalt  }
0x54: {  	_ =	shalt  }
0x55: {  	_ =	shalt  }
0x56: {  	_ =	shalt  }
0x57: {  	_ =	shalt  }
0x58: {  	_ =	shalt  }
0x59: {  	_ =	shalt  }
0x5a: {  	_ =	shalt  }
0x5b: {  	_ =	shalt  }
0x5c: {  	_ =	shalt  }
0x5d: {  	_ =	shalt  }
0x5e: {  	_ =	shalt  }
0x5f: {  	_ =	shalt  }
0x60: {  	_ =	shalt  }
0x61: {  	_ =	shalt  }
0x62: {  	_ =	shalt  }
0x63: {  	_ =	shalt  }
0x64: {  	_ =	shalt  }
0x65: {  	_ =	shalt  }
0x66: {  	_ =	shalt  }
0x67: {  	_ =	shalt  }
0x68: {  	_ =	shalt  }
0x69: {  	_ =	shalt  }
0x6a: {  	_ =	shalt  }
0x6b: {  	_ =	shalt  }
0x6c: {  	_ =	shalt  }
0x6d: {  	_ =	shalt  }
0x6e: {  	_ =	shalt  }
0x6f: {  	_ =	shalt  }
0x70: {  	_ =	shalt  }
0x71: {  	_ =	shalt  }
0x72: {  	_ =	shalt  }
0x73: {  	_ =	shalt  }
0x74: {  	_ =	shalt  }
0x75: {  	_ =	shalt  }
0x76: {  	_ =	shalt  }
0x77: {  	_ =	shalt  }
0x78: {  	_ =	shalt  }
0x79: {  	_ =	shalt  }
0x7a: {  	_ =	shalt  }
0x7b: {  	_ =	shalt  }
0x7c: {  	_ =	shalt  }
0x7d: {  	_ =	shalt  }
0x7e: {  	_ =	shalt  }
0x7f: {  	_ =	shalt  }
0x80: {  	_ =	shalt  }
0x81: {  	_ =	shalt  }
0x82: {  	_ =	shalt  }
0x83: {  	_ =	shalt  }
0x84: {  	_ =	shalt  }
0x85: {  	_ =	shalt  }
0x86: {  	_ =	shalt  }
0x87: {  	_ =	shalt  }
.Lfunc_end0:
.L_simem_size_0:
called_computation_lowered:
.L_overlay_start_0:
0x88: {  	s2 =	sld [smem:$0x3FD9]  }
0x89: {  	s3 =	sld [smem:$0x3FFE];
	_ =	sdelay $0x1  }
0x8a: {  	s1 =	srdreg.scid  }
0x8b: {  	s0 =	sand.u32 $0x1, s1  }
0x8c: {  	s16 =	sshll.u32 s0, $0xA;
	s2 =	sadd.s32 s3, s2  }
0x8d: {  	s2 =	sadd.s32 s2, s16  }
0x8e: {  	[smem:$0x3FC0] =	sst s2  }
0x8f: {  	_ = 	snop  }
0x90: {  	(tm) =	ssettm $0x1  }
0x91: {  	s17 =	sld [smem:$0x3FFB];
	_ =	sdelay $0x3  }
0x92: {  	_ =	strace s17  }
0x93: {  	s2 =	sld [smem:$0x3FFC];
	_ =	sdelay $0x3  }
0x94: {  	_ =	strace s2  }
0x95: {  	s2 =	sld [smem:$0x3FFD];
	_ =	sdelay $0x3  }
0x96: {  	_ =	strace s2  }
0x97: {  	_ =	strace $0x8FFFFFFF  }
0x98: {  	s18 =	sld [smem:$0x3FDB];
	_ =	sdelay $0x1  }
0x99: {  	s19 =	simm.s32 $_scs_section_size  }
0x9a: {  	s4 =	simm.s32 $_size__tile_overlayer_lowered;
	s5 =	simm.s32 $_tile_overlayer_lowered  }
0x9b: {  	s22 =	simm.s32 $0x1BFF;
	s21 =	sshll.u32 s5, $0x1;
	s2 =	sadd.s32 s19, s18  }
0x9c: {  	s6 =	simm.s32 $0x0;
	s20 =	sshll.u32 s4, $0x1;
	s4 =	sadd.s32 s21, s2  }
0x9d: {  	[timem:s6], [sflag:s22] =	dma.local [hbm:s4], s20  }
0x9e: {  	_ =	swait.ge [sflag:s22], s20  }
0x9f: {  	s3 =	ssub.s32 $0x0, s20;
	[sflag:s22] =	ssyncset.done $0x0  }
0xa0: {  	[sflag:s22] =	ssyncadd.s32 s3;
	_ =	sdelay $0x1  }
0xa1: {  	s23 =	simm.s32 $0x1B8B  }
0xa2: {  	_ =	swait.ge [sflag:s23], $0x1  }
0xa3: {  	[sflag:s23] =	ssyncset.done $0x0  }
0xa4: {  	s25 =	simm.s32 $0x1B8E;
	s24 =	sld [smem:$0x3FFE];
	[sflag:s23] =	ssyncadd.s32 $0xFFFFFFFF  }
0xa5: {  	s26 =	simm.s32 $execute0_lowered;
	[smem:$0x3FD2] =	sst s25  }
0xa6: {  	s4 =	sshll.u32 s26, $0x1;
	_ =	strace $0x80000046;
	[dreg:$0x1] =	wrdreg $0xFFFFFFFF  }
0xa7: {  	s28 =	simm.s32 $_size_execute0_lowered;
	s2 =	sadd.s32 s2, s4;
	[dreg:$0x0] =	wrdreg $0x0  }
0xa8: {  	s4 =	sshll.u32 s28, $0x1;
	[dreg:$0x2] =	wrdreg s2  }
0xa9: {  	[dreg:$0x3] =	wrdreg s4  }
0xaa: {  	[dreg:$0x4] =	wrdreg $0xC0  }
0xab: {  	_ =	task [dreg:s6], $0x5FFFF  }
0xac: {  	[dreg:$0x1] =	wrdreg $0xFFFFFFFF  }
0xad: {  	[dreg:$0x0] =	wrdreg $0x60  }
0xae: {  	[dreg:$0x2] =	wrdreg s24  }
0xaf: {  	[dreg:$0x3] =	wrdreg $0xBEA00  }
0xb0: {  	[dreg:$0x4] =	wrdreg $0x9  }
0xb1: {  	_ =	task.clear_ibuf [dreg:s6], $0x5FFFF;
	_ =	strace $0x90000046  }
0xb2: {  	s29 =	simm.s32 $0x9;
	_ =	strace $0x80000048  }
0xb3: {  	_ =	swait.ge [sflag:s29], $0x1  }
0xb4: {  	[sflag:s29] =	ssyncadd.s32 $0xFFFFFFFF  }
0xb5: {  	_ =	strace $0x90000048  }
0xb6: {  	_ =	sfence  }
0xb7: {  	s30 =	sld [smem:$0x0];
	_ =	sdelay $0x2  }
0xb8: {  	s31 =	sshll.u32 s1, $0xD;
	s1 =	sshrl.u32 s1, $0x2  }
0xb9: {  	s3 =	sand.u32 $0x4000, s31;
	s1 =	sadd.s32 s1, s30  }
0xba: {  	s0 =	sor.u32 s3, s0;
	s1 =	sshll.u32 s1, $0x11  }
0xbb: {  	s0 =	sor.u32 s1, s0  }
0xbc: {  	s0 =	sadd.s32 $0x8F2B, s0  }
0xbd: {  	[sflag:s0] =	ssyncadd.remote.s32 $0x1  }
0xbe: {  	_ =	sfence.sel $0xFFFF  }
0xbf: {  	[dreg:$0x0] =	wrdreg $0xFFFFFFFF;
	(pc) =	sbr.abs _section_cstart, $3  }
0xc0: {  	[dreg:$0x1] =	wrdreg $0xFFFFFFFF  }
0xc1: {  	_ =	task.clear_ibuf [dreg:s6], $0x2FFFF;
	_ =	strace $0x9FFFFFFF  }
0xc2: {  	(tm) =	ssettm $0x7FFFFFFF  }
0xc3: {  	_ =	shalt  }
tec
execute0_lowered:
.L_overlay_start_1:
0x0: {  	(tag) =	ssettag $0x1  }
0x1: {  	s0 =	srdreg.scid;
	s1 =	rddreg [dreg:$0x0]  }
0x2: {  	s10 =	stileid.u32;
	s2 =	rddreg [dreg:$0x1]  }
0x3: {  	s12 =	simm.s32 $0xB;
	s14 =	simm.s32 $0x50;
	s15 =	simm.s32 $0x4E20  }
0x4: {  	s16 =	simm.s32 $0x64A0;
	s18 =	simm.s32 $0x7B20;
	s20 =	simm.s32 $0x91A0  }
0x5: {  	s22 =	simm.s32 $0xA820;
	s23 =	simm.s32 $0x1;
	s28 =	simm.s32 $0x5  }
0x6: {  	s29 =	simm.s32 $0x6;
	s30 =	simm.s32 $0x7;
	s31 =	simm.s32 $0x8  }
0x7: {  	s17 =	simm.s32 $0x0;
	s0 =	sand.u32 $0x1, s0;
	s6 =	smul.u32 $0x15F9, s10  }
0x8: {  	s3 =	sshll.u32 s10, $0x1;
	s9 =	smul.u32 $0x2BF20, s10;
	s26 =	sshll.u32 s10, $0x6  }
0x9: {  	s4 =	sor.u32 s0, s3;
	s3 =	simm.s32 $0x0;
	s7 =	smul.u32 $0x15F90, s0  }
0xa: {  	s0 =	ssub.s32 $0x2, s0;
	s5 =	smul.u32 $0x4E2, s4;
	[smem:$0x7FF] =	sst s3  }
0xb: {  	s4 =	sadd.s32 $0xA00, s1;
	s24 =	sshrl.u32 s0, $0x1;
	s25 =	sshrl.u32 s9, $0x2  }
0xc: {  	_ =	strace $0x80000047;
	s6 =	sadd.s32 s6, s7;
	s0 =	ssub.s32 s0, s24  }
0xd: {  	s11 =	sadd.s32 s25, s2;
	s24 =	simm.s32 $0x2;
	s25 =	simm.s32 $0x3  }
0xe: {  	s8 =	sadd.s32 s5, s1;
	s5 =	sadd.s32 $0x2A600, s1;
	s1 =	sadd.s32 s6, s1  }
0xf: {  	s6 =	sor.u32 $0x1C0B, s26;
	s10 =	smax.u32 s0, $0x1;
	s11 =	sshrl.u32 s11, $0x3  }
0x10: {  	s26 =	simm.s32 $0x4;
	s0 =	simm.s32 $0xA;
	s7 =	sadd.s32 $0x20800, s8  }
0x11: {  	s8 =	sadd.s32 $0x16A00, s8;
	s9 =	sadd.s32 $0x2BC00, s1;
	s1 =	simm.s32 $0x9  }
.LBB2_1:
0x12: {  	[spmem:s11], [sflag:s6] =	dma.local [hbm:s5], $0x15F9  }
0x13: {  	_ =	swait.ge [sflag:s12], $0x15F9  }
0x14: {  	[sflag:s12] =	ssyncset.done $0x0  }
0x15: {  	[sflag:s12] =	ssyncadd.s32 $0xFFFFEA07  }
0x16: {  	[tilespmem:s3], [sflag:$0xB] =	stream.linear.gather [hbm4b:s7+s3], $0x2710, $0x38;
	[tilespmem:$0x16E68] =	vst v63  }
0x17: {  	_ =	swait.ge [sflag:s12], $0x2710  }
0x18: {  	[sflag:s12] =	ssyncset.done $0x0  }
0x19: {  	s13 =	simm.s32 $0x2710;
	[sflag:s12] =	ssyncadd.s32 $0xFFFFD8F0  }
0x1a: {  	[tilespmem:s13], [sflag:$0xB] =	stream.linear.gather [hbm4b:s8+s3], $0x2710, $0x38;
	[tilespmem:$0x16E68] =	vst v63  }
0x1b: {  	_ =	swait.ge [sflag:s12], $0x2710  }
0x1c: {  	[sflag:s12] =	ssyncset.done $0x0  }
0x1d: {  	[sflag:s12] =	ssyncadd.s32 $0xFFFFD8F0  }
0x1e: {  	[bflag:$0x0] =	sbarrier.arrive $0xFFFF  }
0x1f: {  	[tilespmem:s15], [sflag:$0x1] =	stream.indirect.gather [hbm4b:s4+s14], $0x48, s3, s14, $0xb8;
	[tilespmem:$0x16E68] =	vst v63  }
0x20: {  	_ = 	snop  }
0x21: {  	[tilespmem:s16], [sflag:$0x2] =	stream.indirect.gather [hbm4b:s4+s14], $0x48, s14, s14, $0xb8;
	[tilespmem:$0x16E68] =	vst v63  }
0x22: {  	s21 =	simm.s32 $0xA0  }
0x23: {  	[tilespmem:s18], [sflag:$0x3] =	stream.indirect.gather [hbm4b:s4+s14], $0x48, s21, s14, $0xb8;
	[tilespmem:$0x16E68] =	vst v63  }
0x24: {  	s19 =	simm.s32 $0xF0  }
0x25: {  	[tilespmem:s20], [sflag:$0x4] =	stream.indirect.gather [hbm4b:s4+s14], $0x48, s19, s14, $0xb8;
	[tilespmem:$0x16E68] =	vst v63  }
0x26: {  	s21 =	simm.s32 $0x140  }
0x27: {  	[tilespmem:s22], [sflag:$0x5] =	stream.indirect.gather [hbm4b:s4+s14], $0x48, s21, s14, $0xb8;
	[tilespmem:$0x16E68] =	vst v63  }
0x28: {  	_ =	swait.ge [sflag:s23], $0x1680  }
0x29: {  	[sflag:s23] =	ssyncset.done $0x0  }
0x2a: {  	s19 =	simm.s32 $0x2710;
	[sflag:s23] =	ssyncadd.s32 $0xFFFFE980  }
0x2b: {  	[spmem:s2] =	stream.indirect.scatter.add.f32 [tilespmem:s15], [sflag:$0x6], $0x48, s19, s14, $0xb8;
	[tilespmem:$0x16E68] =	vst v63  }
0x2c: {  	_ =	swait.ge [sflag:s24], $0x1680  }
0x2d: {  	[sflag:s24] =	ssyncset.done $0x0  }
0x2e: {  	s13 =	simm.s32 $0x2760;
	[sflag:s24] =	ssyncadd.s32 $0xFFFFE980  }
0x2f: {  	[spmem:s2] =	stream.indirect.scatter.add.f32 [tilespmem:s16], [sflag:$0x7], $0x48, s13, s14, $0xb8;
	[tilespmem:$0x16E68] =	vst v63  }
0x30: {  	_ =	swait.ge [sflag:s25], $0x1680  }
0x31: {  	[sflag:s25] =	ssyncset.done $0x0  }
0x32: {  	s21 =	simm.s32 $0x27B0;
	[sflag:s25] =	ssyncadd.s32 $0xFFFFE980  }
0x33: {  	[spmem:s2] =	stream.indirect.scatter.add.f32 [tilespmem:s18], [sflag:$0x8], $0x48, s21, s14, $0xb8;
	[tilespmem:$0x16E68] =	vst v63  }
0x34: {  	_ =	swait.ge [sflag:s26], $0x1680  }
0x35: {  	[sflag:s26] =	ssyncset.done $0x0  }
0x36: {  	s13 =	simm.s32 $0x2800;
	[sflag:s26] =	ssyncadd.s32 $0xFFFFE980  }
0x37: {  	[spmem:s2] =	stream.indirect.scatter.add.f32 [tilespmem:s20], [sflag:$0x9], $0x48, s13, s14, $0xb8;
	[tilespmem:$0x16E68] =	vst v63  }
0x38: {  	_ =	swait.ge [sflag:s28], $0x1680  }
0x39: {  	[sflag:s28] =	ssyncset.done $0x0  }
0x3a: {  	s21 =	simm.s32 $0x2850;
	[sflag:s28] =	ssyncadd.s32 $0xFFFFE980  }
0x3b: {  	[spmem:s2] =	stream.indirect.scatter.add.f32 [tilespmem:s22], [sflag:$0xA], $0x48, s21, s14, $0xb8;
	[tilespmem:$0x16E68] =	vst v63  }
0x3c: {  	_ =	swait.ge [sflag:s29], $0x1680  }
0x3d: {  	[sflag:s29] =	ssyncset.done $0x0  }
0x3e: {  	s13 =	simm.s32 $0x190;
	[sflag:s29] =	ssyncadd.s32 $0xFFFFE980  }
0x3f: {  	[tilespmem:s15], [sflag:$0x1] =	stream.indirect.gather [hbm4b:s4+s14], $0x48, s13, s14, $0xb8;
	[tilespmem:$0x16E68] =	vst v63  }
0x40: {  	_ =	swait.ge [sflag:s30], $0x1680  }
0x41: {  	[sflag:s30] =	ssyncset.done $0x0  }
0x42: {  	s21 =	simm.s32 $0x1E0;
	[sflag:s30] =	ssyncadd.s32 $0xFFFFE980  }
0x43: {  	[tilespmem:s16], [sflag:$0x2] =	stream.indirect.gather [hbm4b:s4+s14], $0x48, s21, s14, $0xb8;
	[tilespmem:$0x16E68] =	vst v63  }
0x44: {  	_ =	swait.ge [sflag:s31], $0x1680  }
0x45: {  	[sflag:s31] =	ssyncset.done $0x0  }
0x46: {  	s13 =	simm.s32 $0x230;
	[sflag:s31] =	ssyncadd.s32 $0xFFFFE980  }
0x47: {  	[tilespmem:s18], [sflag:$0x3] =	stream.indirect.gather [hbm4b:s4+s14], $0x48, s13, s14, $0xb8;
	[tilespmem:$0x16E68] =	vst v63  }
0x48: {  	_ =	swait.ge [sflag:s1], $0x1680  }
0x49: {  	[sflag:s1] =	ssyncset.done $0x0  }
0x4a: {  	s21 =	simm.s32 $0x280;
	[sflag:s1] =	ssyncadd.s32 $0xFFFFE980  }
0x4b: {  	[tilespmem:s20], [sflag:$0x4] =	stream.indirect.gather [hbm4b:s4+s14], $0x48, s21, s14, $0xb8;
	[tilespmem:$0x16E68] =	vst v63  }
0x4c: {  	_ =	swait.ge [sflag:s0], $0x1680  }
0x4d: {  	[sflag:s0] =	ssyncset.done $0x0  }
0x4e: {  	s19 =	simm.s32 $0x640;
	s21 =	simm.s32 $0x2D0;
	[sflag:s0] =	ssyncadd.s32 $0xFFFFE980  }
.LBB2_2:
0x4f: {  	[tilespmem:s22], [sflag:$0x5] =	stream.indirect.gather [hbm4b:s4+s14], $0x48, s21, s14, $0xb8;
	[tilespmem:$0x16E68] =	vst v63  }
0x50: {  	s21 =	smov.u32 s19  }
0x51: {  	p0 =	sne.s32 s19, $0x8FC0;
	s19 =	sadd.s32 $0x640, s19;
	_ =	swait.ge [sflag:s23], $0x1680  }
0x52: {  	s21 =	sshra.s32 s21, $0x2;
	[sflag:s23] =	ssyncset.done $0x0  }
0x53: {  	s13 =	sadd.s32 $0x2710, s21;
	[sflag:s23] =	ssyncadd.s32 $0xFFFFE980  }
0x54: {  	[spmem:s2] =	stream.indirect.scatter.add.f32 [tilespmem:s15], [sflag:$0x6], $0x48, s13, s14, $0xb8;
	[tilespmem:$0x16E68] =	vst v63  }
0x55: {  	_ =	swait.ge [sflag:s24], $0x1680  }
0x56: {  	[sflag:s24] =	ssyncset.done $0x0  }
0x57: {  	s13 =	sadd.s32 $0x2760, s21;
	[sflag:s24] =	ssyncadd.s32 $0xFFFFE980  }
0x58: {  	[spmem:s2] =	stream.indirect.scatter.add.f32 [tilespmem:s16], [sflag:$0x7], $0x48, s13, s14, $0xb8;
	[tilespmem:$0x16E68] =	vst v63  }
0x59: {  	_ =	swait.ge [sflag:s25], $0x1680  }
0x5a: {  	[sflag:s25] =	ssyncset.done $0x0  }
0x5b: {  	s13 =	sadd.s32 $0x27B0, s21;
	[sflag:s25] =	ssyncadd.s32 $0xFFFFE980  }
0x5c: {  	[spmem:s2] =	stream.indirect.scatter.add.f32 [tilespmem:s18], [sflag:$0x8], $0x48, s13, s14, $0xb8;
	[tilespmem:$0x16E68] =	vst v63  }
0x5d: {  	_ =	swait.ge [sflag:s26], $0x1680  }
0x5e: {  	[sflag:s26] =	ssyncset.done $0x0  }
0x5f: {  	s13 =	sadd.s32 $0x2800, s21;
	[sflag:s26] =	ssyncadd.s32 $0xFFFFE980  }
0x60: {  	[spmem:s2] =	stream.indirect.scatter.add.f32 [tilespmem:s20], [sflag:$0x9], $0x48, s13, s14, $0xb8;
	[tilespmem:$0x16E68] =	vst v63  }
0x61: {  	_ =	swait.ge [sflag:s28], $0x1680  }
0x62: {  	[sflag:s28] =	ssyncset.done $0x0  }
0x63: {  	s13 =	sadd.s32 $0x2850, s21;
	[sflag:s28] =	ssyncadd.s32 $0xFFFFE980  }
0x64: {  	[spmem:s2] =	stream.indirect.scatter.add.f32 [tilespmem:s22], [sflag:$0xA], $0x48, s13, s14, $0xb8;
	[tilespmem:$0x16E68] =	vst v63  }
0x65: {  	_ =	swait.ge [sflag:s29], $0x1680  }
0x66: {  	[sflag:s29] =	ssyncset.done $0x0  }
0x67: {  	s13 =	sadd.s32 $0x190, s21;
	[sflag:s29] =	ssyncadd.s32 $0xFFFFE980  }
0x68: {  	[tilespmem:s15], [sflag:$0x1] =	stream.indirect.gather [hbm4b:s4+s14], $0x48, s13, s14, $0xb8;
	[tilespmem:$0x16E68] =	vst v63  }
0x69: {  	_ =	swait.ge [sflag:s30], $0x1680  }
0x6a: {  	[sflag:s30] =	ssyncset.done $0x0  }
0x6b: {  	s13 =	sadd.s32 $0x1E0, s21;
	[sflag:s30] =	ssyncadd.s32 $0xFFFFE980  }
0x6c: {  	[tilespmem:s16], [sflag:$0x2] =	stream.indirect.gather [hbm4b:s4+s14], $0x48, s13, s14, $0xb8;
	[tilespmem:$0x16E68] =	vst v63  }
0x6d: {  	_ =	swait.ge [sflag:s31], $0x1680  }
0x6e: {  	[sflag:s31] =	ssyncset.done $0x0  }
0x6f: {  	s13 =	sadd.s32 $0x230, s21;
	[sflag:s31] =	ssyncadd.s32 $0xFFFFE980  }
0x70: {  	[tilespmem:s18], [sflag:$0x3] =	stream.indirect.gather [hbm4b:s4+s14], $0x48, s13, s14, $0xb8;
	[tilespmem:$0x16E68] =	vst v63  }
0x71: {  	_ =	swait.ge [sflag:s1], $0x1680  }
0x72: {  	[sflag:s1] =	ssyncset.done $0x0  }
.Ltmp0:
0x73: {  	s13 =	sadd.s32 $0x280, s21;
	[sflag:s1] =	ssyncadd.s32 $0xFFFFE980;
	(pc) =	sbr.rel @p0 .LBB2_2-.Ltmp0, $4  }
0x74: {  	[tilespmem:s20], [sflag:$0x4] =	stream.indirect.gather [hbm4b:s4+s14], $0x48, s13, s14, $0xb8;
	[tilespmem:$0x16E68] =	vst v63  }
0x75: {  	_ =	swait.ge [sflag:s0], $0x1680  }
0x76: {  	[sflag:s0] =	ssyncset.done $0x0  }
0x77: {  	s21 =	sadd.s32 $0x2D0, s21;
	[sflag:s0] =	ssyncadd.s32 $0xFFFFE980  }
0x78: {  	[tilespmem:s22], [sflag:$0x5] =	stream.indirect.gather [hbm4b:s4+s14], $0x48, s21, s14, $0xb8;
	[tilespmem:$0x16E68] =	vst v63  }
0x79: {  	_ =	swait.ge [sflag:s23], $0x1680  }
0x7a: {  	[sflag:s23] =	ssyncset.done $0x0  }
0x7b: {  	s13 =	simm.s32 $0x4C90;
	[sflag:s23] =	ssyncadd.s32 $0xFFFFE980  }
0x7c: {  	[spmem:s2] =	stream.indirect.scatter.add.f32 [tilespmem:s15], [sflag:$0x6], $0x48, s13, s14, $0xb8;
	[tilespmem:$0x16E68] =	vst v63  }
0x7d: {  	_ =	swait.ge [sflag:s24], $0x1680  }
0x7e: {  	[sflag:s24] =	ssyncset.done $0x0  }
0x7f: {  	s19 =	simm.s32 $0x4CE0;
	[sflag:s24] =	ssyncadd.s32 $0xFFFFE980  }
0x80: {  	[spmem:s2] =	stream.indirect.scatter.add.f32 [tilespmem:s16], [sflag:$0x7], $0x48, s19, s14, $0xb8;
	[tilespmem:$0x16E68] =	vst v63  }
0x81: {  	_ =	swait.ge [sflag:s25], $0x1680  }
0x82: {  	[sflag:s25] =	ssyncset.done $0x0  }
0x83: {  	s21 =	simm.s32 $0x4D30;
	[sflag:s25] =	ssyncadd.s32 $0xFFFFE980  }
0x84: {  	[spmem:s2] =	stream.indirect.scatter.add.f32 [tilespmem:s18], [sflag:$0x8], $0x48, s21, s14, $0xb8;
	[tilespmem:$0x16E68] =	vst v63  }
0x85: {  	_ =	swait.ge [sflag:s26], $0x1680  }
0x86: {  	[sflag:s26] =	ssyncset.done $0x0  }
0x87: {  	s19 =	simm.s32 $0x4D80;
	[sflag:s26] =	ssyncadd.s32 $0xFFFFE980  }
0x88: {  	[spmem:s2] =	stream.indirect.scatter.add.f32 [tilespmem:s20], [sflag:$0x9], $0x48, s19, s14, $0xb8;
	[tilespmem:$0x16E68] =	vst v63  }
0x89: {  	_ =	swait.ge [sflag:s28], $0x1680  }
0x8a: {  	[sflag:s28] =	ssyncset.done $0x0  }
0x8b: {  	s21 =	simm.s32 $0x4DD0;
	[sflag:s28] =	ssyncadd.s32 $0xFFFFE980  }
0x8c: {  	[spmem:s2] =	stream.indirect.scatter.add.f32 [tilespmem:s22], [sflag:$0xA], $0x48, s21, s14, $0xb8;
	[tilespmem:$0x16E68] =	vst v63  }
0x8d: {  	_ =	swait.ge [sflag:s29], $0x1680  }
0x8e: {  	[sflag:s29] =	ssyncset.done $0x0  }
0x8f: {  	[sflag:s29] =	ssyncadd.s32 $0xFFFFE980  }
0x90: {  	_ =	swait.ge [sflag:s30], $0x1680  }
0x91: {  	[sflag:s30] =	ssyncset.done $0x0  }
0x92: {  	[sflag:s30] =	ssyncadd.s32 $0xFFFFE980  }
0x93: {  	_ =	swait.ge [sflag:s31], $0x1680  }
0x94: {  	[sflag:s31] =	ssyncset.done $0x0  }
0x95: {  	[sflag:s31] =	ssyncadd.s32 $0xFFFFE980  }
0x96: {  	_ =	swait.ge [sflag:s1], $0x1680  }
0x97: {  	[sflag:s1] =	ssyncset.done $0x0  }
0x98: {  	[sflag:s1] =	ssyncadd.s32 $0xFFFFE980  }
0x99: {  	_ =	swait.ge [sflag:s0], $0x1680  }
0x9a: {  	s17 =	sadd.s32 $0x1, s17;
	[sflag:s0] =	ssyncset.done $0x0  }
0x9b: {  	p0 =	sne.s32 s17, s10;
	[sflag:s0] =	ssyncadd.s32 $0xFFFFE980  }
.Ltmp1:
0x9c: {  	[bflag:$0x0] =	sbarrier.arrive $0xFFFF;
	(pc) =	sbr.rel @p0 .LBB2_1-.Ltmp1, $4  }
0x9d: {  	[hbm:s9], [sflag:s6] =	dma.local [spmem:s11], $0x15F9  }
0x9e: {  	_ =	swait.ge [sflag:s12], $0x15F9  }
0x9f: {  	[sflag:s12] =	ssyncset.done $0x0  }
0xa0: {  	[sflag:s12] =	ssyncadd.s32 $0xFFFFEA07  }
0xa1: {  	_ =	sfence.sel $0x180000  }
0xa2: {  	[bflag:$0x0] =	sbarrier.arrive $0xFFFF  }
0xa3: {  	_ =	strace $0x90000047  }
0xa4: {  	s0 =	stileid.u32;
	[bflag:$0x2] =	sbarrier.arrive $0xFFFF  }
0xa5: {  	p0 =	sne.s32 s0, $0x0;
	s0 =	rddreg [dreg:$0x2]  }
0xa6: {  	s0 =	sadd.s32 @!p0 $0x100000, s0  }
0xa7: {  	[sflag:s0] =	ssyncadd.tile.s32 @!p0 $0x1;
	_ =	shalt  }
.Lfunc_end2:
_tile_overlayer_lowered:
.L_overlay_start_2:
0xa8: {  	(tag) =	ssettag $0x2  }
0xa9: {  	s0 =	rddreg [dreg:$0x0];
	s2 =	stileid.u32  }
0xaa: {  	s1 =	rddreg [dreg:$0x1];
	p0 =	sne.s32 s2, $0x0  }
0xab: {  	s3 =	rddreg [dreg:$0x2];
	[bflag:$0x3] =	sbarrier.arrive $0xFFFF;
	s2 =	simm.s32 @!p0 $0x1C0B  }
0xac: {  	[timem:s3], [sflag:s2] =	dma.local @!p0 [hbm:s0], s1  }
0xad: {  	s0 =	simm.s32 @!p0 $0xB  }
0xae: {  	_ =	swait.ge @!p0 [sflag:s0], s1  }
0xaf: {  	s1 =	ssub.s32 @!p0 $0x0, s1;
	[sflag:s0] =	ssyncset.done @!p0 $0x0  }
0xb0: {  	[sflag:s0] =	ssyncadd.s32 @!p0 s1  }
0xb1: {  	[bflag:$0x3] =	sbarrier.arrive $0xFFFF  }
0xb2: {  	_ =	shalt  }

</sc_bundles>
